<compile_context>
chip_gen: v7x
topology: tpu7x:2x2x1
jax: 0.10.2.dev20260603
libtpu: 0.0.44.dev20260713+nightly
codegen_flags: <defaults>
</compile_context>

<pallas_src>
import jax
import jax.numpy as jnp
from jax import lax
from jax.experimental import pallas as pl
from jax.experimental.pallas import tpu as pltpu
from jax.experimental.pallas import tpu_sc as plsc

N = 10000
E = 320000
D = 128
H = 256
G = 128

NC = 2
NS = 16
NW = NC * NS

CHUNK = 128
NCHUNKS = -(-E // CHUNK)
NCHUNKS_PAD = -(-NCHUNKS // NW) * NW
EPAD = NCHUNKS_PAD * CHUNK
CHUNKS_PER_SUB = NCHUNKS_PAD // NS
L1_C0 = 94
L1_C1 = CHUNKS_PER_SUB - L1_C0

NP = 10240
ROWS_PER_SUB = NP // NS

BN = 1024
NBLK = NP // BN


def _make_sc_agg_cnt():
    out_type = [jax.ShapeDtypeStruct((NC, NP, D), jnp.float32),
                jax.ShapeDtypeStruct((NC, NP, D), jnp.float32)]
    scratch = [
        pltpu.VMEM((CHUNK,), jnp.int32),
        pltpu.VMEM((CHUNK,), jnp.int32),
        pltpu.VMEM((CHUNK, D), jnp.float32),
        pltpu.VMEM_SHARED((NP, D), jnp.float32),
        pltpu.SemaphoreType.DMA,
    ]
    mesh = plsc.VectorSubcoreMesh(
        core_axis_name="c", subcore_axis_name="s", num_cores=NC, num_subcores=NS
    )

    def body(table, srcr, dstr, zbig, ones_h, agg_out, cnt_out,
             idx_s, idx_d, rows, acc, sem):
        c = lax.axis_index("c")
        s = lax.axis_index("s")
        row0 = s * ROWS_PER_SUB
        pltpu.sync_copy(zbig.at[pl.ds(row0, ROWS_PER_SUB)],
                        acc.at[pl.ds(row0, ROWS_PER_SUB)])
        plsc.subcore_barrier()

        start = s * CHUNKS_PER_SUB + c * L1_C0
        n_chunks = jnp.where(c == 0, L1_C0, L1_C1)

        def chunk_body(j, carry):
            ch = start + j
            pltpu.sync_copy(srcr.at[ch], idx_s)
            pltpu.sync_copy(dstr.at[ch], idx_d)
            pltpu.async_copy(table.at[idx_s], rows, sem).wait()
            pltpu.sync_copy(rows, acc.at[idx_d], add=True)
            return carry

        lax.fori_loop(0, n_chunks, chunk_body, 0)
        plsc.subcore_barrier()

        pltpu.sync_copy(acc.at[pl.ds(row0, ROWS_PER_SUB)],
                        agg_out.at[c, pl.ds(row0, ROWS_PER_SUB)])

        plsc.subcore_barrier()
        pltpu.sync_copy(zbig.at[pl.ds(row0, ROWS_PER_SUB)],
                        acc.at[pl.ds(row0, ROWS_PER_SUB)])
        pltpu.sync_copy(ones_h, rows)
        plsc.subcore_barrier()

        def cnt_body(j, carry):
            pltpu.sync_copy(dstr.at[start + j], idx_d)
            pltpu.sync_copy(rows, acc.at[idx_d], add=True)
            return carry

        lax.fori_loop(0, n_chunks, cnt_body, 0)
        plsc.subcore_barrier()
        pltpu.sync_copy(acc.at[pl.ds(row0, ROWS_PER_SUB)],
                        cnt_out.at[c, pl.ds(row0, ROWS_PER_SUB)])

    return pl.kernel(body, out_type=out_type, mesh=mesh,
                     scratch_types=scratch)


def _make_sc_agg2():
    out_type = [jax.ShapeDtypeStruct((NC, NP, D), jnp.float32)]
    scratch = [
        pltpu.VMEM((CHUNK,), jnp.int32),
        pltpu.VMEM((CHUNK,), jnp.int32),
        pltpu.VMEM((CHUNK, D), jnp.float32),
        pltpu.VMEM_SHARED((NP, D), jnp.float32),
        pltpu.SemaphoreType.DMA,
    ]
    mesh = plsc.VectorSubcoreMesh(
        core_axis_name="c", subcore_axis_name="s", num_cores=NC, num_subcores=NS
    )

    def body(table, srcr, dstr, zbig, agg_out, idx_s, idx_d, rows, acc, sem):
        c = lax.axis_index("c")
        s = lax.axis_index("s")
        row0 = s * ROWS_PER_SUB
        pltpu.sync_copy(zbig.at[pl.ds(row0, ROWS_PER_SUB)],
                        acc.at[pl.ds(row0, ROWS_PER_SUB)])
        plsc.subcore_barrier()

        start = s * CHUNKS_PER_SUB
        off = c * NP

        def chunk_body(j, carry):
            ch = start + j
            pltpu.sync_copy(srcr.at[ch], idx_s)
            pltpu.sync_copy(dstr.at[ch], idx_d)
            for k in range(CHUNK // 16):
                sl = pl.ds(k * 16, 16)
                idx_s[sl] = idx_s[sl] + off
            pltpu.async_copy(table.at[idx_s], rows, sem).wait()
            pltpu.sync_copy(rows, acc.at[idx_d], add=True)
            return carry

        lax.fori_loop(0, CHUNKS_PER_SUB, chunk_body, 0)
        plsc.subcore_barrier()
        pltpu.sync_copy(acc.at[pl.ds(row0, ROWS_PER_SUB)],
                        agg_out.at[c, pl.ds(row0, ROWS_PER_SUB)])

    return pl.kernel(body, out_type=out_type, mesh=mesh,
                     scratch_types=scratch)


_sc_agg_cnt = _make_sc_agg_cnt()
_sc_agg2 = _make_sc_agg2()


def _tc_layer1_body(p_ref, c_ref, x_ref, wl_ref, wr_ref, b_ref, h_ref):
    cnt = jnp.maximum(c_ref[0, :, 0:1] + c_ref[1, :, 0:1], 1.0)
    mean = (p_ref[0] + p_ref[1]) / cnt
    acc = jnp.dot(mean, wl_ref[...], preferred_element_type=jnp.float32)
    acc = acc + jnp.dot(x_ref[...], wr_ref[...],
                        preferred_element_type=jnp.float32)
    acc = acc + b_ref[...]
    h_ref[0] = jnp.maximum(acc, 0.0)


_tc_layer1 = pl.pallas_call(
    _tc_layer1_body,
    grid=(NBLK, 2),
    in_specs=[
        pl.BlockSpec((NC, BN, D), lambda i, j: (0, i, 0)),
        pl.BlockSpec((NC, BN, D), lambda i, j: (0, i, 0)),
        pl.BlockSpec((BN, D), lambda i, j: (i, 0)),
        pl.BlockSpec((D, D), lambda i, j: (0, j)),
        pl.BlockSpec((D, D), lambda i, j: (0, j)),
        pl.BlockSpec((1, D), lambda i, j: (0, j)),
    ],
    out_specs=pl.BlockSpec((1, BN, D), lambda i, j: (j, i, 0)),
    out_shape=jax.ShapeDtypeStruct((2, NP, D), jnp.float32),
)


def _tc_layer2_body(q_ref, c_ref, h_ref, wl_ref, wr_ref, b_ref,
                    bat_ref, wo_ref, bo_ref, out_ref, pacc, gacc):
    i = pl.program_id(0)
    cnt = jnp.maximum(c_ref[0, :, 0:1] + c_ref[1, :, 0:1], 1.0)
    mean = jnp.concatenate([q_ref[0] / cnt, q_ref[1] / cnt], axis=1)
    hcat = jnp.concatenate([h_ref[0], h_ref[1]], axis=1)
    acc = jnp.dot(mean, wl_ref[...], preferred_element_type=jnp.float32)
    acc = acc + jnp.dot(hcat, wr_ref[...], preferred_element_type=jnp.float32)
    h2 = jnp.maximum(acc + b_ref[...], 0.0)

    onehot = (bat_ref[...] == lax.broadcasted_iota(jnp.int32, (BN, G), 1)
              ).astype(jnp.float32)
    psum = lax.dot_general(onehot, h2, (((0,), (0,)), ((), ())),
                           preferred_element_type=jnp.float32)
    gsum = lax.dot_general(onehot, jnp.ones((BN, 8), jnp.float32),
                           (((0,), (0,)), ((), ())),
                           preferred_element_type=jnp.float32)

    @pl.when(i == 0)
    def _():
        pacc[...] = psum
        gacc[...] = gsum

    @pl.when(i > 0)
    def _():
        pacc[...] += psum
        gacc[...] += gsum

    @pl.when(i == NBLK - 1)
    def _():
        gc = jnp.maximum(gacc[:, 0:1], 1.0)
        out_ref[...] = (jnp.dot(pacc[...], wo_ref[...],
                                preferred_element_type=jnp.float32) / gc
                        + bo_ref[...])


_tc_layer2 = pl.pallas_call(
    _tc_layer2_body,
    grid=(NBLK,),
    in_specs=[
        pl.BlockSpec((NC, BN, D), lambda i: (0, i, 0)),
        pl.BlockSpec((NC, BN, D), lambda i: (0, i, 0)),
        pl.BlockSpec((NC, BN, D), lambda i: (0, i, 0)),
        pl.BlockSpec((H, H), lambda i: (0, 0)),
        pl.BlockSpec((H, H), lambda i: (0, 0)),
        pl.BlockSpec((1, H), lambda i: (0, 0)),
        pl.BlockSpec((BN, 1), lambda i: (i, 0)),
        pl.BlockSpec((H, G), lambda i: (0, 0)),
        pl.BlockSpec((1, G), lambda i: (0, 0)),
    ],
    out_specs=pl.BlockSpec((G, G), lambda i: (0, 0)),
    out_shape=jax.ShapeDtypeStruct((G, G), jnp.float32),
    scratch_shapes=[
        pltpu.VMEM((G, H), jnp.float32),
        pltpu.VMEM((G, 8), jnp.float32),
    ],
)


def kernel(x, edge_index, batch, W_l1, W_r1, b1, W_l2, W_r2, b2, W_out, b_out):
    src = edge_index[0]
    dst = edge_index[1]
    pad_e = EPAD - E
    srcp = jnp.concatenate(
        [src, jnp.full((pad_e,), N, jnp.int32)]).reshape(NCHUNKS_PAD, CHUNK)
    dstp = jnp.concatenate(
        [dst, jnp.full((pad_e,), N, jnp.int32)]).reshape(NCHUNKS_PAD, CHUNK)
    xp = jnp.pad(x, ((0, NP - N), (0, 0)))
    zbig = jnp.zeros((NP, D), jnp.float32)
    ones_h = jnp.ones((CHUNK, D), jnp.float32)
    batp = jnp.pad(batch, (0, NP - N), constant_values=G).reshape(NP, 1)
    wo_pad = jnp.zeros((H, G), jnp.float32).at[:, :2].set(W_out)
    bo_pad = jnp.zeros((1, G), jnp.float32).at[:, :2].set(b_out)

    p1, c1 = _sc_agg_cnt(xp, srcp, dstp, zbig, ones_h)
    h = _tc_layer1(p1, c1, xp, W_l1, W_r1, b1.reshape(1, H))
    (q,) = _sc_agg2(h.reshape(NC * NP, D), srcp, dstp, zbig)
    out = _tc_layer2(q, c1, h, W_l2, W_r2, b2.reshape(1, H),
                     batp, wo_pad, bo_pad)
    return out[:, :2]

# --- scband reference (transcript-rebuilt; emitter-appended) ---
"""Pipeline reference for scband-jet-graph-sage-72842645340289 (READ-ONLY COPY).

The authoritative reference and input builder live on the scoring server;
editing this copy changes nothing except your own understanding.
"""

import jax, jax.numpy as jnp
import numpy as np

N = 10000
E = 320000
D_IN = 128
D_H = 256
G = 128


def setup_inputs(seed: int = 0) -> dict:
    key = jax.random.key(seed)
    ks = jax.random.split(key, 12)
    x = jax.random.normal(ks[0], (N, D_IN), dtype=jnp.float32)
    edge_index = jax.random.randint(ks[1], (2, E), 0, N, dtype=jnp.int32)
    batch = jnp.sort(jax.random.randint(ks[2], (N,), 0, G, dtype=jnp.int32))
    s1 = 1.0 / np.sqrt(D_IN)
    s2 = 1.0 / np.sqrt(D_H)
    W_l1 = jax.random.uniform(ks[3], (D_IN, D_H), jnp.float32, -s1, s1)
    W_r1 = jax.random.uniform(ks[4], (D_IN, D_H), jnp.float32, -s1, s1)
    b1 = jax.random.uniform(ks[5], (D_H,), jnp.float32, -s1, s1)
    W_l2 = jax.random.uniform(ks[6], (D_H, D_H), jnp.float32, -s2, s2)
    W_r2 = jax.random.uniform(ks[7], (D_H, D_H), jnp.float32, -s2, s2)
    b2 = jax.random.uniform(ks[8], (D_H,), jnp.float32, -s2, s2)
    W_out = jax.random.uniform(ks[9], (D_H, 2), jnp.float32, -s2, s2)
    b_out = jax.random.uniform(ks[10], (2,), jnp.float32, -s2, s2)
    return {"x": x, "edge_index": edge_index, "batch": batch,
            "W_l1": W_l1, "W_r1": W_r1, "b1": b1,
            "W_l2": W_l2, "W_r2": W_r2, "b2": b2,
            "W_out": W_out, "b_out": b_out}


def _sage_conv(x, src, dst, W_l, W_r, b):
    # PyG SAGEConv (mean aggr): out = lin_l(mean_{j in N(i)} x_j) + lin_r(x_i)
    msgs = jnp.take(x, src, axis=0)
    agg = jax.ops.segment_sum(msgs, dst, num_segments=N)
    cnt = jax.ops.segment_sum(jnp.ones((src.shape[0], 1), x.dtype), dst, num_segments=N)
    mean = agg / jnp.maximum(cnt, 1.0)
    return mean @ W_l + x @ W_r + b


def reference(x, edge_index, batch, W_l1, W_r1, b1, W_l2, W_r2, b2, W_out, b_out):
    src = edge_index[0]
    dst = edge_index[1]
    h = jax.nn.relu(_sage_conv(x, src, dst, W_l1, W_r1, b1))
    h = jax.nn.relu(_sage_conv(h, src, dst, W_l2, W_r2, b2))
    pooled_sum = jax.ops.segment_sum(h, batch, num_segments=G)
    gcnt = jax.ops.segment_sum(jnp.ones((N, 1), h.dtype), batch, num_segments=G)
    pooled = pooled_sum / jnp.maximum(gcnt, 1.0)
    return pooled @ W_out + b_out

if __name__ == "__main__":
    import jax
    _d = setup_inputs()
    print(jax.jit(kernel)(*tuple(_d.values())))

</pallas_src>

<mosaic_0001>
#map = affine_map<(d0, d1) -> (0, 0)>
#map1 = affine_map<(d0, d1) -> (0, 0, 0)>
module attributes {stable_mosaic.version = 14 : i64} {
  func.func @body(%arg0: i32, %arg1: i32, %arg2: memref<20480x128xf32, #tpu.memory_space<hbm>>, %arg3: memref<2528x128xi32, #tpu.memory_space<hbm>>, %arg4: memref<2528x128xi32, #tpu.memory_space<hbm>>, %arg5: memref<10240x128xf32, #tpu.memory_space<hbm>>, %arg6: memref<2x10240x128xf32, #tpu.memory_space<hbm>>, %arg7: memref<128xi32, #tpu.memory_space<vmem>>, %arg8: memref<128xi32, #tpu.memory_space<vmem>>, %arg9: memref<128x128xf32, #tpu.memory_space<vmem>>, %arg10: memref<10240x128xf32, #tpu.memory_space<vmem_shared>>, %arg11: memref<!tpu.dma_semaphore, #tpu.memory_space<semaphore_mem>>) attributes {dimension_semantics = [#tpu.dimension_semantics<core_parallel>, #tpu.dimension_semantics<subcore_parallel>], iteration_bounds = array<i64: 2, 16>, scalar_prefetch = 0 : i64, scratch_operands = 5 : i64, tpu.core_type = #tpu.core_type<sc_vector_subcore>, window_params = [{transform_indices = #map}, {transform_indices = #map}, {transform_indices = #map}, {transform_indices = #map}, {transform_indices = #map1}]} {
    %mul3A = arith.constant 640 : i32
    %mul3A_0 = arith.muli %arg1, %mul3A : i32
    "tpu.region"() ({
      %run_scoped3A = tpu.sem_alloc : memref<!tpu.dma_semaphore, #tpu.memory_space<semaphore_mem>>
      %dma_start3A = arith.constant 0 : i32
      %dma_start3A_11 = tpu.memref_slice %arg10[%mul3A_0, %dma_start3A] : memref<10240x128xf32, #tpu.memory_space<vmem_shared>> -> memref<640x128xf32, #tpu.memory_space<vmem_shared>>
      %dma_start3A_12 = arith.constant 0 : i32
      %dma_start3A_13 = tpu.memref_slice %arg5[%mul3A_0, %dma_start3A_12] : memref<10240x128xf32, #tpu.memory_space<hbm>> -> memref<640x128xf32, #tpu.memory_space<hbm>>
      tpu.enqueue_dma source(%dma_start3A_13 : memref<640x128xf32, #tpu.memory_space<hbm>>) target(%dma_start3A_11 : memref<640x128xf32, #tpu.memory_space<vmem_shared>>) target_semaphore(%run_scoped3A : memref<!tpu.dma_semaphore, #tpu.memory_space<semaphore_mem>>)
      %dma_wait3A = arith.constant 0 : i32
      %dma_wait3A_14 = tpu.memref_slice %arg10[%mul3A_0, %dma_wait3A] : memref<10240x128xf32, #tpu.memory_space<vmem_shared>> -> memref<640x128xf32, #tpu.memory_space<vmem_shared>>
      %dma_wait3A_15 = arith.constant 0 : i32
      %dma_wait3A_16 = tpu.memref_slice %arg5[%mul3A_0, %dma_wait3A_15] : memref<10240x128xf32, #tpu.memory_space<hbm>> -> memref<640x128xf32, #tpu.memory_space<hbm>>
      tpu.wait_dma2 semaphore(%run_scoped3A : memref<!tpu.dma_semaphore, #tpu.memory_space<semaphore_mem>>) src(%dma_wait3A_16 : memref<640x128xf32, #tpu.memory_space<hbm>>) dst(%dma_wait3A_14 : memref<640x128xf32, #tpu.memory_space<vmem_shared>>)
      tpu.yield
    }) : () -> ()
    %barrier3A = arith.constant 0 : index
    tpu.barrier barrier_id(%barrier3A)
    %mul3A_1 = arith.constant 158 : i32
    %mul3A_2 = arith.muli %arg1, %mul3A_1 : i32
    %mul3A_3 = arith.constant 10240 : i32
    %mul3A_4 = arith.muli %arg0, %mul3A_3 : i32
    %scan3A = arith.constant 0 : i32
    %scan3A_5 = arith.constant 0 : i32
    %scan3A_6 = arith.constant 158 : i32
    %scan3A_7 = arith.addi %scan3A_5, %scan3A_6 : i32
    %scan3A_8 = arith.constant 1 : i32
    scf.for %scan3A_11 = %scan3A_5 to %scan3A_7 step %scan3A_8  : i32 {
      %add3A = arith.addi %mul3A_2, %scan3A_11 : i32
      "tpu.region"() ({
        %run_scoped3A = tpu.sem_alloc : memref<!tpu.dma_semaphore, #tpu.memory_space<semaphore_mem>>
        %dma_start3A_86 = arith.constant 0 : i32
        %dma_start3A_87 = tpu.memref_slice %arg3[%add3A, %dma_start3A_86] : memref<2528x128xi32, #tpu.memory_space<hbm>> -> memref<1x128xi32, #tpu.memory_space<hbm>>
        %dma_start3A_88 = tpu.memref_squeeze %dma_start3A_87 : memref<1x128xi32, #tpu.memory_space<hbm>> -> memref<128xi32, #tpu.memory_space<hbm>>
        %dma_start3A_89 = arith.constant 0 : i32
        %dma_start3A_90 = tpu.memref_slice %arg3[%add3A, %dma_start3A_89] : memref<2528x128xi32, #tpu.memory_space<hbm>> -> memref<1x128xi32, #tpu.memory_space<hbm>>
        %dma_start3A_91 = tpu.memref_squeeze %dma_start3A_90 : memref<1x128xi32, #tpu.memory_space<hbm>> -> memref<128xi32, #tpu.memory_space<hbm>>
        tpu.enqueue_dma source(%dma_start3A_91 : memref<128xi32, #tpu.memory_space<hbm>>) target(%arg7 : memref<128xi32, #tpu.memory_space<vmem>>) target_semaphore(%run_scoped3A : memref<!tpu.dma_semaphore, #tpu.memory_space<semaphore_mem>>)
        %dma_wait3A_92 = arith.constant 0 : i32
        %dma_wait3A_93 = tpu.memref_slice %arg3[%add3A, %dma_wait3A_92] : memref<2528x128xi32, #tpu.memory_space<hbm>> -> memref<1x128xi32, #tpu.memory_space<hbm>>
        %dma_wait3A_94 = tpu.memref_squeeze %dma_wait3A_93 : memref<1x128xi32, #tpu.memory_space<hbm>> -> memref<128xi32, #tpu.memory_space<hbm>>
        %dma_wait3A_95 = arith.constant 0 : i32
        %dma_wait3A_96 = tpu.memref_slice %arg3[%add3A, %dma_wait3A_95] : memref<2528x128xi32, #tpu.memory_space<hbm>> -> memref<1x128xi32, #tpu.memory_space<hbm>>
        %dma_wait3A_97 = tpu.memref_squeeze %dma_wait3A_96 : memref<1x128xi32, #tpu.memory_space<hbm>> -> memref<128xi32, #tpu.memory_space<hbm>>
        tpu.wait_dma2 semaphore(%run_scoped3A : memref<!tpu.dma_semaphore, #tpu.memory_space<semaphore_mem>>) src(%dma_wait3A_97 : memref<128xi32, #tpu.memory_space<hbm>>) dst(%arg7 : memref<128xi32, #tpu.memory_space<vmem>>)
        tpu.yield
      }) : () -> ()
      "tpu.region"() ({
        %run_scoped3A = tpu.sem_alloc : memref<!tpu.dma_semaphore, #tpu.memory_space<semaphore_mem>>
        %dma_start3A_86 = arith.constant 0 : i32
        %dma_start3A_87 = tpu.memref_slice %arg4[%add3A, %dma_start3A_86] : memref<2528x128xi32, #tpu.memory_space<hbm>> -> memref<1x128xi32, #tpu.memory_space<hbm>>
        %dma_start3A_88 = tpu.memref_squeeze %dma_start3A_87 : memref<1x128xi32, #tpu.memory_space<hbm>> -> memref<128xi32, #tpu.memory_space<hbm>>
        %dma_start3A_89 = arith.constant 0 : i32
        %dma_start3A_90 = tpu.memref_slice %arg4[%add3A, %dma_start3A_89] : memref<2528x128xi32, #tpu.memory_space<hbm>> -> memref<1x128xi32, #tpu.memory_space<hbm>>
        %dma_start3A_91 = tpu.memref_squeeze %dma_start3A_90 : memref<1x128xi32, #tpu.memory_space<hbm>> -> memref<128xi32, #tpu.memory_space<hbm>>
        tpu.enqueue_dma source(%dma_start3A_91 : memref<128xi32, #tpu.memory_space<hbm>>) target(%arg8 : memref<128xi32, #tpu.memory_space<vmem>>) target_semaphore(%run_scoped3A : memref<!tpu.dma_semaphore, #tpu.memory_space<semaphore_mem>>)
        %dma_wait3A_92 = arith.constant 0 : i32
        %dma_wait3A_93 = tpu.memref_slice %arg4[%add3A, %dma_wait3A_92] : memref<2528x128xi32, #tpu.memory_space<hbm>> -> memref<1x128xi32, #tpu.memory_space<hbm>>
        %dma_wait3A_94 = tpu.memref_squeeze %dma_wait3A_93 : memref<1x128xi32, #tpu.memory_space<hbm>> -> memref<128xi32, #tpu.memory_space<hbm>>
        %dma_wait3A_95 = arith.constant 0 : i32
        %dma_wait3A_96 = tpu.memref_slice %arg4[%add3A, %dma_wait3A_95] : memref<2528x128xi32, #tpu.memory_space<hbm>> -> memref<1x128xi32, #tpu.memory_space<hbm>>
        %dma_wait3A_97 = tpu.memref_squeeze %dma_wait3A_96 : memref<1x128xi32, #tpu.memory_space<hbm>> -> memref<128xi32, #tpu.memory_space<hbm>>
        tpu.wait_dma2 semaphore(%run_scoped3A : memref<!tpu.dma_semaphore, #tpu.memory_space<semaphore_mem>>) src(%dma_wait3A_97 : memref<128xi32, #tpu.memory_space<hbm>>) dst(%arg8 : memref<128xi32, #tpu.memory_space<vmem>>)
        tpu.yield
      }) : () -> ()
      %get3A = arith.constant 0 : index
      %get3A_12 = tpu.vector_load %arg7[%get3A] {strides = array<i32>} : memref<128xi32, #tpu.memory_space<vmem>>, vector<16xi32>,
      %get3A_13 = vector.shape_cast %get3A_12 : vector<16xi32> to vector<16xi32>
      %add3A_14 = vector.broadcast %mul3A_4 : i32 to vector<16xi32>
      %add3A_15 = arith.addi %get3A_13, %add3A_14 : vector<16xi32>
      %swap3A = arith.constant 0 : index
      %swap3A_16 = tpu.vector_load %arg7[%swap3A] {strides = array<i32>} : memref<128xi32, #tpu.memory_space<vmem>>, vector<16xi32>,
      %swap3A_17 = vector.shape_cast %swap3A_16 : vector<16xi32> to vector<16xi32>
      %swap3A_18 = vector.shape_cast %add3A_15 : vector<16xi32> to vector<16xi32>
      tpu.vector_store %arg7[%swap3A], %swap3A_18 {strides = array<i32>} : memref<128xi32, #tpu.memory_space<vmem>>, vector<16xi32>,
      %get3A_19 = arith.constant 16 : index
      %get3A_20 = tpu.vector_load %arg7[%get3A_19] {strides = array<i32>} : memref<128xi32, #tpu.memory_space<vmem>>, vector<16xi32>,
      %get3A_21 = vector.shape_cast %get3A_20 : vector<16xi32> to vector<16xi32>
      %add3A_22 = vector.broadcast %mul3A_4 : i32 to vector<16xi32>
      %add3A_23 = arith.addi %get3A_21, %add3A_22 : vector<16xi32>
      %swap3A_24 = arith.constant 16 : index
      %swap3A_25 = tpu.vector_load %arg7[%swap3A_24] {strides = array<i32>} : memref<128xi32, #tpu.memory_space<vmem>>, vector<16xi32>,
      %swap3A_26 = vector.shape_cast %swap3A_25 : vector<16xi32> to vector<16xi32>
      %swap3A_27 = vector.shape_cast %add3A_23 : vector<16xi32> to vector<16xi32>
      tpu.vector_store %arg7[%swap3A_24], %swap3A_27 {strides = array<i32>} : memref<128xi32, #tpu.memory_space<vmem>>, vector<16xi32>,
      %get3A_28 = arith.constant 32 : index
      %get3A_29 = tpu.vector_load %arg7[%get3A_28] {strides = array<i32>} : memref<128xi32, #tpu.memory_space<vmem>>, vector<16xi32>,
      %get3A_30 = vector.shape_cast %get3A_29 : vector<16xi32> to vector<16xi32>
      %add3A_31 = vector.broadcast %mul3A_4 : i32 to vector<16xi32>
      %add3A_32 = arith.addi %get3A_30, %add3A_31 : vector<16xi32>
      %swap3A_33 = arith.constant 32 : index
      %swap3A_34 = tpu.vector_load %arg7[%swap3A_33] {strides = array<i32>} : memref<128xi32, #tpu.memory_space<vmem>>, vector<16xi32>,
      %swap3A_35 = vector.shape_cast %swap3A_34 : vector<16xi32> to vector<16xi32>
      %swap3A_36 = vector.shape_cast %add3A_32 : vector<16xi32> to vector<16xi32>
      tpu.vector_store %arg7[%swap3A_33], %swap3A_36 {strides = array<i32>} : memref<128xi32, #tpu.memory_space<vmem>>, vector<16xi32>,
      %get3A_37 = arith.constant 48 : index
      %get3A_38 = tpu.vector_load %arg7[%get3A_37] {strides = array<i32>} : memref<128xi32, #tpu.memory_space<vmem>>, vector<16xi32>,
      %get3A_39 = vector.shape_cast %get3A_38 : vector<16xi32> to vector<16xi32>
      %add3A_40 = vector.broadcast %mul3A_4 : i32 to vector<16xi32>
      %add3A_41 = arith.addi %get3A_39, %add3A_40 : vector<16xi32>
      %swap3A_42 = arith.constant 48 : index
      %swap3A_43 = tpu.vector_load %arg7[%swap3A_42] {strides = array<i32>} : memref<128xi32, #tpu.memory_space<vmem>>, vector<16xi32>,
      %swap3A_44 = vector.shape_cast %swap3A_43 : vector<16xi32> to vector<16xi32>
      %swap3A_45 = vector.shape_cast %add3A_41 : vector<16xi32> to vector<16xi32>
      tpu.vector_store %arg7[%swap3A_42], %swap3A_45 {strides = array<i32>} : memref<128xi32, #tpu.memory_space<vmem>>, vector<16xi32>,
      %get3A_46 = arith.constant 64 : index
      %get3A_47 = tpu.vector_load %arg7[%get3A_46] {strides = array<i32>} : memref<128xi32, #tpu.memory_space<vmem>>, vector<16xi32>,
      %get3A_48 = vector.shape_cast %get3A_47 : vector<16xi32> to vector<16xi32>
      %add3A_49 = vector.broadcast %mul3A_4 : i32 to vector<16xi32>
      %add3A_50 = arith.addi %get3A_48, %add3A_49 : vector<16xi32>
      %swap3A_51 = arith.constant 64 : index
      %swap3A_52 = tpu.vector_load %arg7[%swap3A_51] {strides = array<i32>} : memref<128xi32, #tpu.memory_space<vmem>>, vector<16xi32>,
      %swap3A_53 = vector.shape_cast %swap3A_52 : vector<16xi32> to vector<16xi32>
      %swap3A_54 = vector.shape_cast %add3A_50 : vector<16xi32> to vector<16xi32>
      tpu.vector_store %arg7[%swap3A_51], %swap3A_54 {strides = array<i32>} : memref<128xi32, #tpu.memory_space<vmem>>, vector<16xi32>,
      %get3A_55 = arith.constant 80 : index
      %get3A_56 = tpu.vector_load %arg7[%get3A_55] {strides = array<i32>} : memref<128xi32, #tpu.memory_space<vmem>>, vector<16xi32>,
      %get3A_57 = vector.shape_cast %get3A_56 : vector<16xi32> to vector<16xi32>
      %add3A_58 = vector.broadcast %mul3A_4 : i32 to vector<16xi32>
      %add3A_59 = arith.addi %get3A_57, %add3A_58 : vector<16xi32>
      %swap3A_60 = arith.constant 80 : index
      %swap3A_61 = tpu.vector_load %arg7[%swap3A_60] {strides = array<i32>} : memref<128xi32, #tpu.memory_space<vmem>>, vector<16xi32>,
      %swap3A_62 = vector.shape_cast %swap3A_61 : vector<16xi32> to vector<16xi32>
      %swap3A_63 = vector.shape_cast %add3A_59 : vector<16xi32> to vector<16xi32>
      tpu.vector_store %arg7[%swap3A_60], %swap3A_63 {strides = array<i32>} : memref<128xi32, #tpu.memory_space<vmem>>, vector<16xi32>,
      %get3A_64 = arith.constant 96 : index
      %get3A_65 = tpu.vector_load %arg7[%get3A_64] {strides = array<i32>} : memref<128xi32, #tpu.memory_space<vmem>>, vector<16xi32>,
      %get3A_66 = vector.shape_cast %get3A_65 : vector<16xi32> to vector<16xi32>
      %add3A_67 = vector.broadcast %mul3A_4 : i32 to vector<16xi32>
      %add3A_68 = arith.addi %get3A_66, %add3A_67 : vector<16xi32>
      %swap3A_69 = arith.constant 96 : index
      %swap3A_70 = tpu.vector_load %arg7[%swap3A_69] {strides = array<i32>} : memref<128xi32, #tpu.memory_space<vmem>>, vector<16xi32>,
      %swap3A_71 = vector.shape_cast %swap3A_70 : vector<16xi32> to vector<16xi32>
      %swap3A_72 = vector.shape_cast %add3A_68 : vector<16xi32> to vector<16xi32>
      tpu.vector_store %arg7[%swap3A_69], %swap3A_72 {strides = array<i32>} : memref<128xi32, #tpu.memory_space<vmem>>, vector<16xi32>,
      %get3A_73 = arith.constant 112 : index
      %get3A_74 = tpu.vector_load %arg7[%get3A_73] {strides = array<i32>} : memref<128xi32, #tpu.memory_space<vmem>>, vector<16xi32>,
      %get3A_75 = vector.shape_cast %get3A_74 : vector<16xi32> to vector<16xi32>
      %add3A_76 = vector.broadcast %mul3A_4 : i32 to vector<16xi32>
      %add3A_77 = arith.addi %get3A_75, %add3A_76 : vector<16xi32>
      %swap3A_78 = arith.constant 112 : index
      %swap3A_79 = tpu.vector_load %arg7[%swap3A_78] {strides = array<i32>} : memref<128xi32, #tpu.memory_space<vmem>>, vector<16xi32>,
      %swap3A_80 = vector.shape_cast %swap3A_79 : vector<16xi32> to vector<16xi32>
      %swap3A_81 = vector.shape_cast %add3A_77 : vector<16xi32> to vector<16xi32>
      tpu.vector_store %arg7[%swap3A_78], %swap3A_81 {strides = array<i32>} : memref<128xi32, #tpu.memory_space<vmem>>, vector<16xi32>,
      %dma_start3A = arith.constant 0 : i32
      %dma_start3A_82 = arith.constant 0 : i32
      %dma_start3A_83 = tpu.memref_slice %arg2[%dma_start3A, %dma_start3A_82] : memref<20480x128xf32, #tpu.memory_space<hbm>> -> memref<20480x128xf32, #tpu.memory_space<hbm>>
      tpu.enqueue_indirect_dma source(%dma_start3A_83 : memref<20480x128xf32, #tpu.memory_space<hbm>>) target(%arg9 : memref<128x128xf32, #tpu.memory_space<vmem>>) offsets(%arg7 : memref<128xi32, #tpu.memory_space<vmem>>) semaphore(%arg11 : memref<!tpu.dma_semaphore, #tpu.memory_space<semaphore_mem>>)
      %dma_wait3A = arith.constant 0 : i32
      %dma_wait3A_84 = arith.constant 0 : i32
      %dma_wait3A_85 = tpu.memref_slice %arg2[%dma_wait3A, %dma_wait3A_84] : memref<20480x128xf32, #tpu.memory_space<hbm>> -> memref<20480x128xf32, #tpu.memory_space<hbm>>
      tpu.wait_indirect_dma semaphore(%arg11 : memref<!tpu.dma_semaphore, #tpu.memory_space<semaphore_mem>>) src(%dma_wait3A_85 : memref<20480x128xf32, #tpu.memory_space<hbm>>) dst(%arg9 : memref<128x128xf32, #tpu.memory_space<vmem>>)
      "tpu.region"() ({
        %run_scoped3A = tpu.sem_alloc : memref<!tpu.dma_semaphore, #tpu.memory_space<semaphore_mem>>
        %dma_start3A_86 = arith.constant 0 : i32
        %dma_start3A_87 = arith.constant 0 : i32
        %dma_start3A_88 = tpu.memref_slice %arg10[%dma_start3A_86, %dma_start3A_87] : memref<10240x128xf32, #tpu.memory_space<vmem_shared>> -> memref<10240x128xf32, #tpu.memory_space<vmem_shared>>
        tpu.enqueue_indirect_dma source(%arg9 : memref<128x128xf32, #tpu.memory_space<vmem>>) target(%dma_start3A_88 : memref<10240x128xf32, #tpu.memory_space<vmem_shared>>) offsets(%arg8 : memref<128xi32, #tpu.memory_space<vmem>>) semaphore(%run_scoped3A : memref<!tpu.dma_semaphore, #tpu.memory_space<semaphore_mem>>) {add = true}
        %dma_wait3A_89 = arith.constant 0 : i32
        %dma_wait3A_90 = arith.constant 0 : i32
        %dma_wait3A_91 = tpu.memref_slice %arg10[%dma_wait3A_89, %dma_wait3A_90] : memref<10240x128xf32, #tpu.memory_space<vmem_shared>> -> memref<10240x128xf32, #tpu.memory_space<vmem_shared>>
        tpu.wait_indirect_dma semaphore(%run_scoped3A : memref<!tpu.dma_semaphore, #tpu.memory_space<semaphore_mem>>) src(%arg9 : memref<128x128xf32, #tpu.memory_space<vmem>>) dst(%dma_wait3A_91 : memref<10240x128xf32, #tpu.memory_space<vmem_shared>>)
        tpu.yield
      }) : () -> ()
    }
    %scan3A_9 = arith.constant 158 : i32
    %barrier3A_10 = arith.constant 0 : index
    tpu.barrier barrier_id(%barrier3A_10)
    "tpu.region"() ({
      %run_scoped3A = tpu.sem_alloc : memref<!tpu.dma_semaphore, #tpu.memory_space<semaphore_mem>>
      %dma_start3A = arith.constant 0 : i32
      %dma_start3A_11 = tpu.memref_slice %arg6[%arg0, %mul3A_0, %dma_start3A] : memref<2x10240x128xf32, #tpu.memory_space<hbm>> -> memref<1x640x128xf32, #tpu.memory_space<hbm>>
      %dma_start3A_12 = tpu.memref_squeeze %dma_start3A_11 : memref<1x640x128xf32, #tpu.memory_space<hbm>> -> memref<640x128xf32, #tpu.memory_space<hbm>>
      %dma_start3A_13 = arith.constant 0 : i32
      %dma_start3A_14 = tpu.memref_slice %arg10[%mul3A_0, %dma_start3A_13] : memref<10240x128xf32, #tpu.memory_space<vmem_shared>> -> memref<640x128xf32, #tpu.memory_space<vmem_shared>>
      tpu.enqueue_dma source(%dma_start3A_14 : memref<640x128xf32, #tpu.memory_space<vmem_shared>>) target(%dma_start3A_12 : memref<640x128xf32, #tpu.memory_space<hbm>>) target_semaphore(%run_scoped3A : memref<!tpu.dma_semaphore, #tpu.memory_space<semaphore_mem>>)
      %dma_wait3A = arith.constant 0 : i32
      %dma_wait3A_15 = tpu.memref_slice %arg6[%arg0, %mul3A_0, %dma_wait3A] : memref<2x10240x128xf32, #tpu.memory_space<hbm>> -> memref<1x640x128xf32, #tpu.memory_space<hbm>>
      %dma_wait3A_16 = tpu.memref_squeeze %dma_wait3A_15 : memref<1x640x128xf32, #tpu.memory_space<hbm>> -> memref<640x128xf32, #tpu.memory_space<hbm>>
      %dma_wait3A_17 = arith.constant 0 : i32
      %dma_wait3A_18 = tpu.memref_slice %arg10[%mul3A_0, %dma_wait3A_17] : memref<10240x128xf32, #tpu.memory_space<vmem_shared>> -> memref<640x128xf32, #tpu.memory_space<vmem_shared>>
      tpu.wait_dma2 semaphore(%run_scoped3A : memref<!tpu.dma_semaphore, #tpu.memory_space<semaphore_mem>>) src(%dma_wait3A_18 : memref<640x128xf32, #tpu.memory_space<vmem_shared>>) dst(%dma_wait3A_16 : memref<640x128xf32, #tpu.memory_space<hbm>>)
      tpu.yield
    }) : () -> ()
    return
  }
}

#map = affine_map<(d0, d1) -> (0, 0)>
#map1 = affine_map<(d0, d1) -> (0, 0, 0)>
module attributes {stable_mosaic.version = 14 : i64} {
  func.func @body(%arg0: i32, %arg1: i32, %arg2: memref<10240x128xf32, #tpu.memory_space<hbm>>, %arg3: memref<2528x128xi32, #tpu.memory_space<hbm>>, %arg4: memref<2528x128xi32, #tpu.memory_space<hbm>>, %arg5: memref<10240x128xf32, #tpu.memory_space<hbm>>, %arg6: memref<128x128xf32, #tpu.memory_space<hbm>>, %arg7: memref<2x10240x128xf32, #tpu.memory_space<hbm>>, %arg8: memref<2x10240x128xf32, #tpu.memory_space<hbm>>, %arg9: memref<128xi32, #tpu.memory_space<vmem>>, %arg10: memref<128xi32, #tpu.memory_space<vmem>>, %arg11: memref<128x128xf32, #tpu.memory_space<vmem>>, %arg12: memref<10240x128xf32, #tpu.memory_space<vmem_shared>>, %arg13: memref<!tpu.dma_semaphore, #tpu.memory_space<semaphore_mem>>) attributes {dimension_semantics = [#tpu.dimension_semantics<core_parallel>, #tpu.dimension_semantics<subcore_parallel>], iteration_bounds = array<i64: 2, 16>, scalar_prefetch = 0 : i64, scratch_operands = 5 : i64, tpu.core_type = #tpu.core_type<sc_vector_subcore>, window_params = [{transform_indices = #map}, {transform_indices = #map}, {transform_indices = #map}, {transform_indices = #map}, {transform_indices = #map}, {transform_indices = #map1}, {transform_indices = #map1}]} {
    %mul3A = arith.constant 640 : i32
    %mul3A_0 = arith.muli %arg1, %mul3A : i32
    "tpu.region"() ({
      %run_scoped3A = tpu.sem_alloc : memref<!tpu.dma_semaphore, #tpu.memory_space<semaphore_mem>>
      %dma_start3A = arith.constant 0 : i32
      %dma_start3A_30 = tpu.memref_slice %arg12[%mul3A_0, %dma_start3A] : memref<10240x128xf32, #tpu.memory_space<vmem_shared>> -> memref<640x128xf32, #tpu.memory_space<vmem_shared>>
      %dma_start3A_31 = arith.constant 0 : i32
      %dma_start3A_32 = tpu.memref_slice %arg5[%mul3A_0, %dma_start3A_31] : memref<10240x128xf32, #tpu.memory_space<hbm>> -> memref<640x128xf32, #tpu.memory_space<hbm>>
      tpu.enqueue_dma source(%dma_start3A_32 : memref<640x128xf32, #tpu.memory_space<hbm>>) target(%dma_start3A_30 : memref<640x128xf32, #tpu.memory_space<vmem_shared>>) target_semaphore(%run_scoped3A : memref<!tpu.dma_semaphore, #tpu.memory_space<semaphore_mem>>)
      %dma_wait3A = arith.constant 0 : i32
      %dma_wait3A_33 = tpu.memref_slice %arg12[%mul3A_0, %dma_wait3A] : memref<10240x128xf32, #tpu.memory_space<vmem_shared>> -> memref<640x128xf32, #tpu.memory_space<vmem_shared>>
      %dma_wait3A_34 = arith.constant 0 : i32
      %dma_wait3A_35 = tpu.memref_slice %arg5[%mul3A_0, %dma_wait3A_34] : memref<10240x128xf32, #tpu.memory_space<hbm>> -> memref<640x128xf32, #tpu.memory_space<hbm>>
      tpu.wait_dma2 semaphore(%run_scoped3A : memref<!tpu.dma_semaphore, #tpu.memory_space<semaphore_mem>>) src(%dma_wait3A_35 : memref<640x128xf32, #tpu.memory_space<hbm>>) dst(%dma_wait3A_33 : memref<640x128xf32, #tpu.memory_space<vmem_shared>>)
      tpu.yield
    }) : () -> ()
    %barrier3A = arith.constant 0 : index
    tpu.barrier barrier_id(%barrier3A)
    %mul3A_1 = arith.constant 158 : i32
    %mul3A_2 = arith.muli %arg1, %mul3A_1 : i32
    %mul3A_3 = arith.constant 94 : i32
    %mul3A_4 = arith.muli %arg0, %mul3A_3 : i32
    %add3A = arith.addi %mul3A_2, %mul3A_4 : i32
    %eq3A = arith.constant 0 : i32
    %eq3A_5 = arith.cmpi eq, %arg0, %eq3A : i32
    %jit3A = arith.constant 94 : i32
    %jit3A_6 = arith.constant 64 : i32
    %select_n3A = arith.select %eq3A_5, %jit3A, %jit3A_6 : i32
    %while3A = arith.constant 0 : i32
    %while3A_7 = arith.constant 0 : i32
    %while3A_8 = arith.subi %select_n3A, %while3A_7 : i32
    %while3A_9 = arith.addi %while3A_7, %while3A_8 : i32
    %while3A_10 = arith.constant 1 : i32
    %while3A_11 = arith.divsi %while3A_8, %while3A_10 : i32
    %while3A_12 = arith.muli %while3A_11, %while3A_10 : i32
    %while3A_13 = arith.addi %while3A_7, %while3A_12 : i32
    %while3A_14 = arith.constant 1 : i32
    scf.for %while3A_30 = %while3A_7 to %while3A_13 step %while3A_14  : i32 {
      %add3A_31 = arith.addi %add3A, %while3A_30 : i32
      "tpu.region"() ({
        %run_scoped3A = tpu.sem_alloc : memref<!tpu.dma_semaphore, #tpu.memory_space<semaphore_mem>>
        %dma_start3A_36 = arith.constant 0 : i32
        %dma_start3A_37 = tpu.memref_slice %arg3[%add3A_31, %dma_start3A_36] : memref<2528x128xi32, #tpu.memory_space<hbm>> -> memref<1x128xi32, #tpu.memory_space<hbm>>
        %dma_start3A_38 = tpu.memref_squeeze %dma_start3A_37 : memref<1x128xi32, #tpu.memory_space<hbm>> -> memref<128xi32, #tpu.memory_space<hbm>>
        %dma_start3A_39 = arith.constant 0 : i32
        %dma_start3A_40 = tpu.memref_slice %arg3[%add3A_31, %dma_start3A_39] : memref<2528x128xi32, #tpu.memory_space<hbm>> -> memref<1x128xi32, #tpu.memory_space<hbm>>
        %dma_start3A_41 = tpu.memref_squeeze %dma_start3A_40 : memref<1x128xi32, #tpu.memory_space<hbm>> -> memref<128xi32, #tpu.memory_space<hbm>>
        tpu.enqueue_dma source(%dma_start3A_41 : memref<128xi32, #tpu.memory_space<hbm>>) target(%arg9 : memref<128xi32, #tpu.memory_space<vmem>>) target_semaphore(%run_scoped3A : memref<!tpu.dma_semaphore, #tpu.memory_space<semaphore_mem>>)
        %dma_wait3A_42 = arith.constant 0 : i32
        %dma_wait3A_43 = tpu.memref_slice %arg3[%add3A_31, %dma_wait3A_42] : memref<2528x128xi32, #tpu.memory_space<hbm>> -> memref<1x128xi32, #tpu.memory_space<hbm>>
        %dma_wait3A_44 = tpu.memref_squeeze %dma_wait3A_43 : memref<1x128xi32, #tpu.memory_space<hbm>> -> memref<128xi32, #tpu.memory_space<hbm>>
        %dma_wait3A_45 = arith.constant 0 : i32
        %dma_wait3A_46 = tpu.memref_slice %arg3[%add3A_31, %dma_wait3A_45] : memref<2528x128xi32, #tpu.memory_space<hbm>> -> memref<1x128xi32, #tpu.memory_space<hbm>>
        %dma_wait3A_47 = tpu.memref_squeeze %dma_wait3A_46 : memref<1x128xi32, #tpu.memory_space<hbm>> -> memref<128xi32, #tpu.memory_space<hbm>>
        tpu.wait_dma2 semaphore(%run_scoped3A : memref<!tpu.dma_semaphore, #tpu.memory_space<semaphore_mem>>) src(%dma_wait3A_47 : memref<128xi32, #tpu.memory_space<hbm>>) dst(%arg9 : memref<128xi32, #tpu.memory_space<vmem>>)
        tpu.yield
      }) : () -> ()
      "tpu.region"() ({
        %run_scoped3A = tpu.sem_alloc : memref<!tpu.dma_semaphore, #tpu.memory_space<semaphore_mem>>
        %dma_start3A_36 = arith.constant 0 : i32
        %dma_start3A_37 = tpu.memref_slice %arg4[%add3A_31, %dma_start3A_36] : memref<2528x128xi32, #tpu.memory_space<hbm>> -> memref<1x128xi32, #tpu.memory_space<hbm>>
        %dma_start3A_38 = tpu.memref_squeeze %dma_start3A_37 : memref<1x128xi32, #tpu.memory_space<hbm>> -> memref<128xi32, #tpu.memory_space<hbm>>
        %dma_start3A_39 = arith.constant 0 : i32
        %dma_start3A_40 = tpu.memref_slice %arg4[%add3A_31, %dma_start3A_39] : memref<2528x128xi32, #tpu.memory_space<hbm>> -> memref<1x128xi32, #tpu.memory_space<hbm>>
        %dma_start3A_41 = tpu.memref_squeeze %dma_start3A_40 : memref<1x128xi32, #tpu.memory_space<hbm>> -> memref<128xi32, #tpu.memory_space<hbm>>
        tpu.enqueue_dma source(%dma_start3A_41 : memref<128xi32, #tpu.memory_space<hbm>>) target(%arg10 : memref<128xi32, #tpu.memory_space<vmem>>) target_semaphore(%run_scoped3A : memref<!tpu.dma_semaphore, #tpu.memory_space<semaphore_mem>>)
        %dma_wait3A_42 = arith.constant 0 : i32
        %dma_wait3A_43 = tpu.memref_slice %arg4[%add3A_31, %dma_wait3A_42] : memref<2528x128xi32, #tpu.memory_space<hbm>> -> memref<1x128xi32, #tpu.memory_space<hbm>>
        %dma_wait3A_44 = tpu.memref_squeeze %dma_wait3A_43 : memref<1x128xi32, #tpu.memory_space<hbm>> -> memref<128xi32, #tpu.memory_space<hbm>>
        %dma_wait3A_45 = arith.constant 0 : i32
        %dma_wait3A_46 = tpu.memref_slice %arg4[%add3A_31, %dma_wait3A_45] : memref<2528x128xi32, #tpu.memory_space<hbm>> -> memref<1x128xi32, #tpu.memory_space<hbm>>
        %dma_wait3A_47 = tpu.memref_squeeze %dma_wait3A_46 : memref<1x128xi32, #tpu.memory_space<hbm>> -> memref<128xi32, #tpu.memory_space<hbm>>
        tpu.wait_dma2 semaphore(%run_scoped3A : memref<!tpu.dma_semaphore, #tpu.memory_space<semaphore_mem>>) src(%dma_wait3A_47 : memref<128xi32, #tpu.memory_space<hbm>>) dst(%arg10 : memref<128xi32, #tpu.memory_space<vmem>>)
        tpu.yield
      }) : () -> ()
      %dma_start3A = arith.constant 0 : i32
      %dma_start3A_32 = arith.constant 0 : i32
      %dma_start3A_33 = tpu.memref_slice %arg2[%dma_start3A, %dma_start3A_32] : memref<10240x128xf32, #tpu.memory_space<hbm>> -> memref<10240x128xf32, #tpu.memory_space<hbm>>
      tpu.enqueue_indirect_dma source(%dma_start3A_33 : memref<10240x128xf32, #tpu.memory_space<hbm>>) target(%arg11 : memref<128x128xf32, #tpu.memory_space<vmem>>) offsets(%arg9 : memref<128xi32, #tpu.memory_space<vmem>>) semaphore(%arg13 : memref<!tpu.dma_semaphore, #tpu.memory_space<semaphore_mem>>)
      %dma_wait3A = arith.constant 0 : i32
      %dma_wait3A_34 = arith.constant 0 : i32
      %dma_wait3A_35 = tpu.memref_slice %arg2[%dma_wait3A, %dma_wait3A_34] : memref<10240x128xf32, #tpu.memory_space<hbm>> -> memref<10240x128xf32, #tpu.memory_space<hbm>>
      tpu.wait_indirect_dma semaphore(%arg13 : memref<!tpu.dma_semaphore, #tpu.memory_space<semaphore_mem>>) src(%dma_wait3A_35 : memref<10240x128xf32, #tpu.memory_space<hbm>>) dst(%arg11 : memref<128x128xf32, #tpu.memory_space<vmem>>)
      "tpu.region"() ({
        %run_scoped3A = tpu.sem_alloc : memref<!tpu.dma_semaphore, #tpu.memory_space<semaphore_mem>>
        %dma_start3A_36 = arith.constant 0 : i32
        %dma_start3A_37 = arith.constant 0 : i32
        %dma_start3A_38 = tpu.memref_slice %arg12[%dma_start3A_36, %dma_start3A_37] : memref<10240x128xf32, #tpu.memory_space<vmem_shared>> -> memref<10240x128xf32, #tpu.memory_space<vmem_shared>>
        tpu.enqueue_indirect_dma source(%arg11 : memref<128x128xf32, #tpu.memory_space<vmem>>) target(%dma_start3A_38 : memref<10240x128xf32, #tpu.memory_space<vmem_shared>>) offsets(%arg10 : memref<128xi32, #tpu.memory_space<vmem>>) semaphore(%run_scoped3A : memref<!tpu.dma_semaphore, #tpu.memory_space<semaphore_mem>>) {add = true}
        %dma_wait3A_39 = arith.constant 0 : i32
        %dma_wait3A_40 = arith.constant 0 : i32
        %dma_wait3A_41 = tpu.memref_slice %arg12[%dma_wait3A_39, %dma_wait3A_40] : memref<10240x128xf32, #tpu.memory_space<vmem_shared>> -> memref<10240x128xf32, #tpu.memory_space<vmem_shared>>
        tpu.wait_indirect_dma semaphore(%run_scoped3A : memref<!tpu.dma_semaphore, #tpu.memory_space<semaphore_mem>>) src(%arg11 : memref<128x128xf32, #tpu.memory_space<vmem>>) dst(%dma_wait3A_41 : memref<10240x128xf32, #tpu.memory_space<vmem_shared>>)
        tpu.yield
      }) : () -> ()
    }
    %while3A_15 = arith.constant 1 : i32
    scf.for %while3A_30 = %while3A_13 to %while3A_9 step %while3A_15  : i32 {
      %add3A_31 = arith.addi %add3A, %while3A_30 : i32
      "tpu.region"() ({
        %run_scoped3A = tpu.sem_alloc : memref<!tpu.dma_semaphore, #tpu.memory_space<semaphore_mem>>
        %dma_start3A_36 = arith.constant 0 : i32
        %dma_start3A_37 = tpu.memref_slice %arg3[%add3A_31, %dma_start3A_36] : memref<2528x128xi32, #tpu.memory_space<hbm>> -> memref<1x128xi32, #tpu.memory_space<hbm>>
        %dma_start3A_38 = tpu.memref_squeeze %dma_start3A_37 : memref<1x128xi32, #tpu.memory_space<hbm>> -> memref<128xi32, #tpu.memory_space<hbm>>
        %dma_start3A_39 = arith.constant 0 : i32
        %dma_start3A_40 = tpu.memref_slice %arg3[%add3A_31, %dma_start3A_39] : memref<2528x128xi32, #tpu.memory_space<hbm>> -> memref<1x128xi32, #tpu.memory_space<hbm>>
        %dma_start3A_41 = tpu.memref_squeeze %dma_start3A_40 : memref<1x128xi32, #tpu.memory_space<hbm>> -> memref<128xi32, #tpu.memory_space<hbm>>
        tpu.enqueue_dma source(%dma_start3A_41 : memref<128xi32, #tpu.memory_space<hbm>>) target(%arg9 : memref<128xi32, #tpu.memory_space<vmem>>) target_semaphore(%run_scoped3A : memref<!tpu.dma_semaphore, #tpu.memory_space<semaphore_mem>>)
        %dma_wait3A_42 = arith.constant 0 : i32
        %dma_wait3A_43 = tpu.memref_slice %arg3[%add3A_31, %dma_wait3A_42] : memref<2528x128xi32, #tpu.memory_space<hbm>> -> memref<1x128xi32, #tpu.memory_space<hbm>>
        %dma_wait3A_44 = tpu.memref_squeeze %dma_wait3A_43 : memref<1x128xi32, #tpu.memory_space<hbm>> -> memref<128xi32, #tpu.memory_space<hbm>>
        %dma_wait3A_45 = arith.constant 0 : i32
        %dma_wait3A_46 = tpu.memref_slice %arg3[%add3A_31, %dma_wait3A_45] : memref<2528x128xi32, #tpu.memory_space<hbm>> -> memref<1x128xi32, #tpu.memory_space<hbm>>
        %dma_wait3A_47 = tpu.memref_squeeze %dma_wait3A_46 : memref<1x128xi32, #tpu.memory_space<hbm>> -> memref<128xi32, #tpu.memory_space<hbm>>
        tpu.wait_dma2 semaphore(%run_scoped3A : memref<!tpu.dma_semaphore, #tpu.memory_space<semaphore_mem>>) src(%dma_wait3A_47 : memref<128xi32, #tpu.memory_space<hbm>>) dst(%arg9 : memref<128xi32, #tpu.memory_space<vmem>>)
        tpu.yield
      }) : () -> ()
      "tpu.region"() ({
        %run_scoped3A = tpu.sem_alloc : memref<!tpu.dma_semaphore, #tpu.memory_space<semaphore_mem>>
        %dma_start3A_36 = arith.constant 0 : i32
        %dma_start3A_37 = tpu.memref_slice %arg4[%add3A_31, %dma_start3A_36] : memref<2528x128xi32, #tpu.memory_space<hbm>> -> memref<1x128xi32, #tpu.memory_space<hbm>>
        %dma_start3A_38 = tpu.memref_squeeze %dma_start3A_37 : memref<1x128xi32, #tpu.memory_space<hbm>> -> memref<128xi32, #tpu.memory_space<hbm>>
        %dma_start3A_39 = arith.constant 0 : i32
        %dma_start3A_40 = tpu.memref_slice %arg4[%add3A_31, %dma_start3A_39] : memref<2528x128xi32, #tpu.memory_space<hbm>> -> memref<1x128xi32, #tpu.memory_space<hbm>>
        %dma_start3A_41 = tpu.memref_squeeze %dma_start3A_40 : memref<1x128xi32, #tpu.memory_space<hbm>> -> memref<128xi32, #tpu.memory_space<hbm>>
        tpu.enqueue_dma source(%dma_start3A_41 : memref<128xi32, #tpu.memory_space<hbm>>) target(%arg10 : memref<128xi32, #tpu.memory_space<vmem>>) target_semaphore(%run_scoped3A : memref<!tpu.dma_semaphore, #tpu.memory_space<semaphore_mem>>)
        %dma_wait3A_42 = arith.constant 0 : i32
        %dma_wait3A_43 = tpu.memref_slice %arg4[%add3A_31, %dma_wait3A_42] : memref<2528x128xi32, #tpu.memory_space<hbm>> -> memref<1x128xi32, #tpu.memory_space<hbm>>
        %dma_wait3A_44 = tpu.memref_squeeze %dma_wait3A_43 : memref<1x128xi32, #tpu.memory_space<hbm>> -> memref<128xi32, #tpu.memory_space<hbm>>
        %dma_wait3A_45 = arith.constant 0 : i32
        %dma_wait3A_46 = tpu.memref_slice %arg4[%add3A_31, %dma_wait3A_45] : memref<2528x128xi32, #tpu.memory_space<hbm>> -> memref<1x128xi32, #tpu.memory_space<hbm>>
        %dma_wait3A_47 = tpu.memref_squeeze %dma_wait3A_46 : memref<1x128xi32, #tpu.memory_space<hbm>> -> memref<128xi32, #tpu.memory_space<hbm>>
        tpu.wait_dma2 semaphore(%run_scoped3A : memref<!tpu.dma_semaphore, #tpu.memory_space<semaphore_mem>>) src(%dma_wait3A_47 : memref<128xi32, #tpu.memory_space<hbm>>) dst(%arg10 : memref<128xi32, #tpu.memory_space<vmem>>)
        tpu.yield
      }) : () -> ()
      %dma_start3A = arith.constant 0 : i32
      %dma_start3A_32 = arith.constant 0 : i32
      %dma_start3A_33 = tpu.memref_slice %arg2[%dma_start3A, %dma_start3A_32] : memref<10240x128xf32, #tpu.memory_space<hbm>> -> memref<10240x128xf32, #tpu.memory_space<hbm>>
      tpu.enqueue_indirect_dma source(%dma_start3A_33 : memref<10240x128xf32, #tpu.memory_space<hbm>>) target(%arg11 : memref<128x128xf32, #tpu.memory_space<vmem>>) offsets(%arg9 : memref<128xi32, #tpu.memory_space<vmem>>) semaphore(%arg13 : memref<!tpu.dma_semaphore, #tpu.memory_space<semaphore_mem>>)
      %dma_wait3A = arith.constant 0 : i32
      %dma_wait3A_34 = arith.constant 0 : i32
      %dma_wait3A_35 = tpu.memref_slice %arg2[%dma_wait3A, %dma_wait3A_34] : memref<10240x128xf32, #tpu.memory_space<hbm>> -> memref<10240x128xf32, #tpu.memory_space<hbm>>
      tpu.wait_indirect_dma semaphore(%arg13 : memref<!tpu.dma_semaphore, #tpu.memory_space<semaphore_mem>>) src(%dma_wait3A_35 : memref<10240x128xf32, #tpu.memory_space<hbm>>) dst(%arg11 : memref<128x128xf32, #tpu.memory_space<vmem>>)
      "tpu.region"() ({
        %run_scoped3A = tpu.sem_alloc : memref<!tpu.dma_semaphore, #tpu.memory_space<semaphore_mem>>
        %dma_start3A_36 = arith.constant 0 : i32
        %dma_start3A_37 = arith.constant 0 : i32
        %dma_start3A_38 = tpu.memref_slice %arg12[%dma_start3A_36, %dma_start3A_37] : memref<10240x128xf32, #tpu.memory_space<vmem_shared>> -> memref<10240x128xf32, #tpu.memory_space<vmem_shared>>
        tpu.enqueue_indirect_dma source(%arg11 : memref<128x128xf32, #tpu.memory_space<vmem>>) target(%dma_start3A_38 : memref<10240x128xf32, #tpu.memory_space<vmem_shared>>) offsets(%arg10 : memref<128xi32, #tpu.memory_space<vmem>>) semaphore(%run_scoped3A : memref<!tpu.dma_semaphore, #tpu.memory_space<semaphore_mem>>) {add = true}
        %dma_wait3A_39 = arith.constant 0 : i32
        %dma_wait3A_40 = arith.constant 0 : i32
        %dma_wait3A_41 = tpu.memref_slice %arg12[%dma_wait3A_39, %dma_wait3A_40] : memref<10240x128xf32, #tpu.memory_space<vmem_shared>> -> memref<10240x128xf32, #tpu.memory_space<vmem_shared>>
        tpu.wait_indirect_dma semaphore(%run_scoped3A : memref<!tpu.dma_semaphore, #tpu.memory_space<semaphore_mem>>) src(%arg11 : memref<128x128xf32, #tpu.memory_space<vmem>>) dst(%dma_wait3A_41 : memref<10240x128xf32, #tpu.memory_space<vmem_shared>>)
        tpu.yield
      }) : () -> ()
    }
    %barrier3A_16 = arith.constant 0 : index
    tpu.barrier barrier_id(%barrier3A_16)
    "tpu.region"() ({
      %run_scoped3A = tpu.sem_alloc : memref<!tpu.dma_semaphore, #tpu.memory_space<semaphore_mem>>
      %dma_start3A = arith.constant 0 : i32
      %dma_start3A_30 = tpu.memref_slice %arg7[%arg0, %mul3A_0, %dma_start3A] : memref<2x10240x128xf32, #tpu.memory_space<hbm>> -> memref<1x640x128xf32, #tpu.memory_space<hbm>>
      %dma_start3A_31 = tpu.memref_squeeze %dma_start3A_30 : memref<1x640x128xf32, #tpu.memory_space<hbm>> -> memref<640x128xf32, #tpu.memory_space<hbm>>
      %dma_start3A_32 = arith.constant 0 : i32
      %dma_start3A_33 = tpu.memref_slice %arg12[%mul3A_0, %dma_start3A_32] : memref<10240x128xf32, #tpu.memory_space<vmem_shared>> -> memref<640x128xf32, #tpu.memory_space<vmem_shared>>
      tpu.enqueue_dma source(%dma_start3A_33 : memref<640x128xf32, #tpu.memory_space<vmem_shared>>) target(%dma_start3A_31 : memref<640x128xf32, #tpu.memory_space<hbm>>) target_semaphore(%run_scoped3A : memref<!tpu.dma_semaphore, #tpu.memory_space<semaphore_mem>>)
      %dma_wait3A = arith.constant 0 : i32
      %dma_wait3A_34 = tpu.memref_slice %arg7[%arg0, %mul3A_0, %dma_wait3A] : memref<2x10240x128xf32, #tpu.memory_space<hbm>> -> memref<1x640x128xf32, #tpu.memory_space<hbm>>
      %dma_wait3A_35 = tpu.memref_squeeze %dma_wait3A_34 : memref<1x640x128xf32, #tpu.memory_space<hbm>> -> memref<640x128xf32, #tpu.memory_space<hbm>>
      %dma_wait3A_36 = arith.constant 0 : i32
      %dma_wait3A_37 = tpu.memref_slice %arg12[%mul3A_0, %dma_wait3A_36] : memref<10240x128xf32, #tpu.memory_space<vmem_shared>> -> memref<640x128xf32, #tpu.memory_space<vmem_shared>>
      tpu.wait_dma2 semaphore(%run_scoped3A : memref<!tpu.dma_semaphore, #tpu.memory_space<semaphore_mem>>) src(%dma_wait3A_37 : memref<640x128xf32, #tpu.memory_space<vmem_shared>>) dst(%dma_wait3A_35 : memref<640x128xf32, #tpu.memory_space<hbm>>)
      tpu.yield
    }) : () -> ()
    %barrier3A_17 = arith.constant 0 : index
    tpu.barrier barrier_id(%barrier3A_17)
    "tpu.region"() ({
      %run_scoped3A = tpu.sem_alloc : memref<!tpu.dma_semaphore, #tpu.memory_space<semaphore_mem>>
      %dma_start3A = arith.constant 0 : i32
      %dma_start3A_30 = tpu.memref_slice %arg12[%mul3A_0, %dma_start3A] : memref<10240x128xf32, #tpu.memory_space<vmem_shared>> -> memref<640x128xf32, #tpu.memory_space<vmem_shared>>
      %dma_start3A_31 = arith.constant 0 : i32
      %dma_start3A_32 = tpu.memref_slice %arg5[%mul3A_0, %dma_start3A_31] : memref<10240x128xf32, #tpu.memory_space<hbm>> -> memref<640x128xf32, #tpu.memory_space<hbm>>
      tpu.enqueue_dma source(%dma_start3A_32 : memref<640x128xf32, #tpu.memory_space<hbm>>) target(%dma_start3A_30 : memref<640x128xf32, #tpu.memory_space<vmem_shared>>) target_semaphore(%run_scoped3A : memref<!tpu.dma_semaphore, #tpu.memory_space<semaphore_mem>>)
      %dma_wait3A = arith.constant 0 : i32
      %dma_wait3A_33 = tpu.memref_slice %arg12[%mul3A_0, %dma_wait3A] : memref<10240x128xf32, #tpu.memory_space<vmem_shared>> -> memref<640x128xf32, #tpu.memory_space<vmem_shared>>
      %dma_wait3A_34 = arith.constant 0 : i32
      %dma_wait3A_35 = tpu.memref_slice %arg5[%mul3A_0, %dma_wait3A_34] : memref<10240x128xf32, #tpu.memory_space<hbm>> -> memref<640x128xf32, #tpu.memory_space<hbm>>
      tpu.wait_dma2 semaphore(%run_scoped3A : memref<!tpu.dma_semaphore, #tpu.memory_space<semaphore_mem>>) src(%dma_wait3A_35 : memref<640x128xf32, #tpu.memory_space<hbm>>) dst(%dma_wait3A_33 : memref<640x128xf32, #tpu.memory_space<vmem_shared>>)
      tpu.yield
    }) : () -> ()
    "tpu.region"() ({
      %run_scoped3A = tpu.sem_alloc : memref<!tpu.dma_semaphore, #tpu.memory_space<semaphore_mem>>
      tpu.enqueue_dma source(%arg6 : memref<128x128xf32, #tpu.memory_space<hbm>>) target(%arg11 : memref<128x128xf32, #tpu.memory_space<vmem>>) target_semaphore(%run_scoped3A : memref<!tpu.dma_semaphore, #tpu.memory_space<semaphore_mem>>)
      tpu.wait_dma2 semaphore(%run_scoped3A : memref<!tpu.dma_semaphore, #tpu.memory_space<semaphore_mem>>) src(%arg6 : memref<128x128xf32, #tpu.memory_space<hbm>>) dst(%arg11 : memref<128x128xf32, #tpu.memory_space<vmem>>)
      tpu.yield
    }) : () -> ()
    %barrier3A_18 = arith.constant 0 : index
    tpu.barrier barrier_id(%barrier3A_18)
    %while3A_19 = arith.constant 0 : i32
    %while3A_20 = arith.constant 0 : i32
    %while3A_21 = arith.subi %select_n3A, %while3A_20 : i32
    %while3A_22 = arith.addi %while3A_20, %while3A_21 : i32
    %while3A_23 = arith.constant 1 : i32
    %while3A_24 = arith.divsi %while3A_21, %while3A_23 : i32
    %while3A_25 = arith.muli %while3A_24, %while3A_23 : i32
    %while3A_26 = arith.addi %while3A_20, %while3A_25 : i32
    %while3A_27 = arith.constant 1 : i32
    scf.for %while3A_30 = %while3A_20 to %while3A_26 step %while3A_27  : i32 {
      %add3A_31 = arith.addi %add3A, %while3A_30 : i32
      "tpu.region"() ({
        %run_scoped3A = tpu.sem_alloc : memref<!tpu.dma_semaphore, #tpu.memory_space<semaphore_mem>>
        %dma_start3A = arith.constant 0 : i32
        %dma_start3A_32 = tpu.memref_slice %arg4[%add3A_31, %dma_start3A] : memref<2528x128xi32, #tpu.memory_space<hbm>> -> memref<1x128xi32, #tpu.memory_space<hbm>>
        %dma_start3A_33 = tpu.memref_squeeze %dma_start3A_32 : memref<1x128xi32, #tpu.memory_space<hbm>> -> memref<128xi32, #tpu.memory_space<hbm>>
        %dma_start3A_34 = arith.constant 0 : i32
        %dma_start3A_35 = tpu.memref_slice %arg4[%add3A_31, %dma_start3A_34] : memref<2528x128xi32, #tpu.memory_space<hbm>> -> memref<1x128xi32, #tpu.memory_space<hbm>>
        %dma_start3A_36 = tpu.memref_squeeze %dma_start3A_35 : memref<1x128xi32, #tpu.memory_space<hbm>> -> memref<128xi32, #tpu.memory_space<hbm>>
        tpu.enqueue_dma source(%dma_start3A_36 : memref<128xi32, #tpu.memory_space<hbm>>) target(%arg10 : memref<128xi32, #tpu.memory_space<vmem>>) target_semaphore(%run_scoped3A : memref<!tpu.dma_semaphore, #tpu.memory_space<semaphore_mem>>)
        %dma_wait3A = arith.constant 0 : i32
        %dma_wait3A_37 = tpu.memref_slice %arg4[%add3A_31, %dma_wait3A] : memref<2528x128xi32, #tpu.memory_space<hbm>> -> memref<1x128xi32, #tpu.memory_space<hbm>>
        %dma_wait3A_38 = tpu.memref_squeeze %dma_wait3A_37 : memref<1x128xi32, #tpu.memory_space<hbm>> -> memref<128xi32, #tpu.memory_space<hbm>>
        %dma_wait3A_39 = arith.constant 0 : i32
        %dma_wait3A_40 = tpu.memref_slice %arg4[%add3A_31, %dma_wait3A_39] : memref<2528x128xi32, #tpu.memory_space<hbm>> -> memref<1x128xi32, #tpu.memory_space<hbm>>
        %dma_wait3A_41 = tpu.memref_squeeze %dma_wait3A_40 : memref<1x128xi32, #tpu.memory_space<hbm>> -> memref<128xi32, #tpu.memory_space<hbm>>
        tpu.wait_dma2 semaphore(%run_scoped3A : memref<!tpu.dma_semaphore, #tpu.memory_space<semaphore_mem>>) src(%dma_wait3A_41 : memref<128xi32, #tpu.memory_space<hbm>>) dst(%arg10 : memref<128xi32, #tpu.memory_space<vmem>>)
        tpu.yield
      }) : () -> ()
      "tpu.region"() ({
        %run_scoped3A = tpu.sem_alloc : memref<!tpu.dma_semaphore, #tpu.memory_space<semaphore_mem>>
        %dma_start3A = arith.constant 0 : i32
        %dma_start3A_32 = arith.constant 0 : i32
        %dma_start3A_33 = tpu.memref_slice %arg12[%dma_start3A, %dma_start3A_32] : memref<10240x128xf32, #tpu.memory_space<vmem_shared>> -> memref<10240x128xf32, #tpu.memory_space<vmem_shared>>
        tpu.enqueue_indirect_dma source(%arg11 : memref<128x128xf32, #tpu.memory_space<vmem>>) target(%dma_start3A_33 : memref<10240x128xf32, #tpu.memory_space<vmem_shared>>) offsets(%arg10 : memref<128xi32, #tpu.memory_space<vmem>>) semaphore(%run_scoped3A : memref<!tpu.dma_semaphore, #tpu.memory_space<semaphore_mem>>) {add = true}
        %dma_wait3A = arith.constant 0 : i32
        %dma_wait3A_34 = arith.constant 0 : i32
        %dma_wait3A_35 = tpu.memref_slice %arg12[%dma_wait3A, %dma_wait3A_34] : memref<10240x128xf32, #tpu.memory_space<vmem_shared>> -> memref<10240x128xf32, #tpu.memory_space<vmem_shared>>
        tpu.wait_indirect_dma semaphore(%run_scoped3A : memref<!tpu.dma_semaphore, #tpu.memory_space<semaphore_mem>>) src(%arg11 : memref<128x128xf32, #tpu.memory_space<vmem>>) dst(%dma_wait3A_35 : memref<10240x128xf32, #tpu.memory_space<vmem_shared>>)
        tpu.yield
      }) : () -> ()
    }
    %while3A_28 = arith.constant 1 : i32
    scf.for %while3A_30 = %while3A_26 to %while3A_22 step %while3A_28  : i32 {
      %add3A_31 = arith.addi %add3A, %while3A_30 : i32
      "tpu.region"() ({
        %run_scoped3A = tpu.sem_alloc : memref<!tpu.dma_semaphore, #tpu.memory_space<semaphore_mem>>
        %dma_start3A = arith.constant 0 : i32
        %dma_start3A_32 = tpu.memref_slice %arg4[%add3A_31, %dma_start3A] : memref<2528x128xi32, #tpu.memory_space<hbm>> -> memref<1x128xi32, #tpu.memory_space<hbm>>
        %dma_start3A_33 = tpu.memref_squeeze %dma_start3A_32 : memref<1x128xi32, #tpu.memory_space<hbm>> -> memref<128xi32, #tpu.memory_space<hbm>>
        %dma_start3A_34 = arith.constant 0 : i32
        %dma_start3A_35 = tpu.memref_slice %arg4[%add3A_31, %dma_start3A_34] : memref<2528x128xi32, #tpu.memory_space<hbm>> -> memref<1x128xi32, #tpu.memory_space<hbm>>
        %dma_start3A_36 = tpu.memref_squeeze %dma_start3A_35 : memref<1x128xi32, #tpu.memory_space<hbm>> -> memref<128xi32, #tpu.memory_space<hbm>>
        tpu.enqueue_dma source(%dma_start3A_36 : memref<128xi32, #tpu.memory_space<hbm>>) target(%arg10 : memref<128xi32, #tpu.memory_space<vmem>>) target_semaphore(%run_scoped3A : memref<!tpu.dma_semaphore, #tpu.memory_space<semaphore_mem>>)
        %dma_wait3A = arith.constant 0 : i32
        %dma_wait3A_37 = tpu.memref_slice %arg4[%add3A_31, %dma_wait3A] : memref<2528x128xi32, #tpu.memory_space<hbm>> -> memref<1x128xi32, #tpu.memory_space<hbm>>
        %dma_wait3A_38 = tpu.memref_squeeze %dma_wait3A_37 : memref<1x128xi32, #tpu.memory_space<hbm>> -> memref<128xi32, #tpu.memory_space<hbm>>
        %dma_wait3A_39 = arith.constant 0 : i32
        %dma_wait3A_40 = tpu.memref_slice %arg4[%add3A_31, %dma_wait3A_39] : memref<2528x128xi32, #tpu.memory_space<hbm>> -> memref<1x128xi32, #tpu.memory_space<hbm>>
        %dma_wait3A_41 = tpu.memref_squeeze %dma_wait3A_40 : memref<1x128xi32, #tpu.memory_space<hbm>> -> memref<128xi32, #tpu.memory_space<hbm>>
        tpu.wait_dma2 semaphore(%run_scoped3A : memref<!tpu.dma_semaphore, #tpu.memory_space<semaphore_mem>>) src(%dma_wait3A_41 : memref<128xi32, #tpu.memory_space<hbm>>) dst(%arg10 : memref<128xi32, #tpu.memory_space<vmem>>)
        tpu.yield
      }) : () -> ()
      "tpu.region"() ({
        %run_scoped3A = tpu.sem_alloc : memref<!tpu.dma_semaphore, #tpu.memory_space<semaphore_mem>>
        %dma_start3A = arith.constant 0 : i32
        %dma_start3A_32 = arith.constant 0 : i32
        %dma_start3A_33 = tpu.memref_slice %arg12[%dma_start3A, %dma_start3A_32] : memref<10240x128xf32, #tpu.memory_space<vmem_shared>> -> memref<10240x128xf32, #tpu.memory_space<vmem_shared>>
        tpu.enqueue_indirect_dma source(%arg11 : memref<128x128xf32, #tpu.memory_space<vmem>>) target(%dma_start3A_33 : memref<10240x128xf32, #tpu.memory_space<vmem_shared>>) offsets(%arg10 : memref<128xi32, #tpu.memory_space<vmem>>) semaphore(%run_scoped3A : memref<!tpu.dma_semaphore, #tpu.memory_space<semaphore_mem>>) {add = true}
        %dma_wait3A = arith.constant 0 : i32
        %dma_wait3A_34 = arith.constant 0 : i32
        %dma_wait3A_35 = tpu.memref_slice %arg12[%dma_wait3A, %dma_wait3A_34] : memref<10240x128xf32, #tpu.memory_space<vmem_shared>> -> memref<10240x128xf32, #tpu.memory_space<vmem_shared>>
        tpu.wait_indirect_dma semaphore(%run_scoped3A : memref<!tpu.dma_semaphore, #tpu.memory_space<semaphore_mem>>) src(%arg11 : memref<128x128xf32, #tpu.memory_space<vmem>>) dst(%dma_wait3A_35 : memref<10240x128xf32, #tpu.memory_space<vmem_shared>>)
        tpu.yield
      }) : () -> ()
    }
    %barrier3A_29 = arith.constant 0 : index
    tpu.barrier barrier_id(%barrier3A_29)
    "tpu.region"() ({
      %run_scoped3A = tpu.sem_alloc : memref<!tpu.dma_semaphore, #tpu.memory_space<semaphore_mem>>
      %dma_start3A = arith.constant 0 : i32
      %dma_start3A_30 = tpu.memref_slice %arg8[%arg0, %mul3A_0, %dma_start3A] : memref<2x10240x128xf32, #tpu.memory_space<hbm>> -> memref<1x640x128xf32, #tpu.memory_space<hbm>>
      %dma_start3A_31 = tpu.memref_squeeze %dma_start3A_30 : memref<1x640x128xf32, #tpu.memory_space<hbm>> -> memref<640x128xf32, #tpu.memory_space<hbm>>
      %dma_start3A_32 = arith.constant 0 : i32
      %dma_start3A_33 = tpu.memref_slice %arg12[%mul3A_0, %dma_start3A_32] : memref<10240x128xf32, #tpu.memory_space<vmem_shared>> -> memref<640x128xf32, #tpu.memory_space<vmem_shared>>
      tpu.enqueue_dma source(%dma_start3A_33 : memref<640x128xf32, #tpu.memory_space<vmem_shared>>) target(%dma_start3A_31 : memref<640x128xf32, #tpu.memory_space<hbm>>) target_semaphore(%run_scoped3A : memref<!tpu.dma_semaphore, #tpu.memory_space<semaphore_mem>>)
      %dma_wait3A = arith.constant 0 : i32
      %dma_wait3A_34 = tpu.memref_slice %arg8[%arg0, %mul3A_0, %dma_wait3A] : memref<2x10240x128xf32, #tpu.memory_space<hbm>> -> memref<1x640x128xf32, #tpu.memory_space<hbm>>
      %dma_wait3A_35 = tpu.memref_squeeze %dma_wait3A_34 : memref<1x640x128xf32, #tpu.memory_space<hbm>> -> memref<640x128xf32, #tpu.memory_space<hbm>>
      %dma_wait3A_36 = arith.constant 0 : i32
      %dma_wait3A_37 = tpu.memref_slice %arg12[%mul3A_0, %dma_wait3A_36] : memref<10240x128xf32, #tpu.memory_space<vmem_shared>> -> memref<640x128xf32, #tpu.memory_space<vmem_shared>>
      tpu.wait_dma2 semaphore(%run_scoped3A : memref<!tpu.dma_semaphore, #tpu.memory_space<semaphore_mem>>) src(%dma_wait3A_37 : memref<640x128xf32, #tpu.memory_space<vmem_shared>>) dst(%dma_wait3A_35 : memref<640x128xf32, #tpu.memory_space<hbm>>)
      tpu.yield
    }) : () -> ()
    return
  }
}

module attributes {stable_mosaic.version = 14 : i64} {
  func.func @_tc_layer1_body(%arg0: i32, %arg1: i32, %arg2: memref<2x1024x128xf32, #tpu.memory_space<vmem>>, %arg3: memref<2x1024x128xf32, #tpu.memory_space<vmem>>, %arg4: memref<1024x128xf32, #tpu.memory_space<vmem>>, %arg5: memref<128x128xf32, #tpu.memory_space<vmem>>, %arg6: memref<128x128xf32, #tpu.memory_space<vmem>>, %arg7: memref<1x128xf32, #tpu.memory_space<vmem>>, %arg8: memref<1x1024x128xf32, #tpu.memory_space<vmem>>) attributes {dimension_semantics = [#tpu.dimension_semantics<arbitrary>, #tpu.dimension_semantics<arbitrary>], iteration_bounds = array<i64: 10, 2>, scalar_prefetch = 0 : i64, scratch_operands = 0 : i64, tpu.core_type = #tpu.core_type<tc>, window_params = [{transform_indices = @transform_0, window_bounds = array<i64: 2, 1024, 128>}, {transform_indices = @transform_1, window_bounds = array<i64: 2, 1024, 128>}, {transform_indices = @transform_2, window_bounds = array<i64: 1024, 128>}, {transform_indices = @transform_3, window_bounds = array<i64: 128, 128>}, {transform_indices = @transform_4, window_bounds = array<i64: 128, 128>}, {transform_indices = @transform_5, window_bounds = array<i64: 1, 128>}, {transform_indices = @transform_6, window_bounds = array<i64: 1, 1024, 128>}]} {
    %get3A = arith.constant 0 : index
    %get3A_0 = arith.constant 0 : index
    %get3A_1 = arith.constant 0 : index
    %get3A_2 = vector.load %arg3[%get3A, %get3A_0, %get3A_1] : memref<2x1024x128xf32, #tpu.memory_space<vmem>>, vector<1x1024x1xf32>
    %get3A_3 = vector.shape_cast %get3A_2 : vector<1x1024x1xf32> to vector<1024x1xf32>
    %get3A_4 = arith.constant 1 : index
    %get3A_5 = arith.constant 0 : index
    %get3A_6 = arith.constant 0 : index
    %get3A_7 = vector.load %arg3[%get3A_4, %get3A_5, %get3A_6] : memref<2x1024x128xf32, #tpu.memory_space<vmem>>, vector<1x1024x1xf32>
    %get3A_8 = vector.shape_cast %get3A_7 : vector<1x1024x1xf32> to vector<1024x1xf32>
    %add3A = arith.addf %get3A_3, %get3A_8 : vector<1024x1xf32>
    %max3A = arith.constant 1.000000e+00 : f32
    %max3A_9 = vector.broadcast %max3A : f32 to vector<1024x1xf32>
    %max3A_10 = arith.maximumf %add3A, %max3A_9 : vector<1024x1xf32>
    %get3A_11 = arith.constant 0 : index
    %get3A_12 = arith.constant 0 : index
    %get3A_13 = arith.constant 0 : index
    %get3A_14 = vector.load %arg2[%get3A_11, %get3A_12, %get3A_13] : memref<2x1024x128xf32, #tpu.memory_space<vmem>>, vector<1x1024x128xf32>
    %get3A_15 = vector.shape_cast %get3A_14 : vector<1x1024x128xf32> to vector<1024x128xf32>
    %get3A_16 = arith.constant 1 : index
    %get3A_17 = arith.constant 0 : index
    %get3A_18 = arith.constant 0 : index
    %get3A_19 = vector.load %arg2[%get3A_16, %get3A_17, %get3A_18] : memref<2x1024x128xf32, #tpu.memory_space<vmem>>, vector<1x1024x128xf32>
    %get3A_20 = vector.shape_cast %get3A_19 : vector<1x1024x128xf32> to vector<1024x128xf32>
    %add3A_21 = arith.addf %get3A_15, %get3A_20 : vector<1024x128xf32>
    %div3A = vector.broadcast %max3A_10 : vector<1024x1xf32> to vector<1024x128xf32>
    %div3A_22 = arith.divf %add3A_21, %div3A : vector<1024x128xf32>
    %get3A_23 = arith.constant 0 : index
    %get3A_24 = arith.constant 0 : index
    %get3A_25 = vector.load %arg5[%get3A_23, %get3A_24] : memref<128x128xf32, #tpu.memory_space<vmem>>, vector<128x128xf32>
    %dot_general3A = arith.constant dense<0.000000e+00> : vector<1024x128xf32>
    %dot_general3A_26 = tpu.matmul %div3A_22, %get3A_25, %dot_general3A {dimension_numbers = #tpu.dot_dimension_numbers<[1], [0], [0], [1], [0, 0, 1, 1], [], []>, transpose_lhs_hint = false} : vector<1024x128xf32>, vector<128x128xf32>, vector<1024x128xf32> -> vector<1024x128xf32>
    %get3A_27 = arith.constant 0 : index
    %get3A_28 = arith.constant 0 : index
    %get3A_29 = vector.load %arg4[%get3A_27, %get3A_28] : memref<1024x128xf32, #tpu.memory_space<vmem>>, vector<1024x128xf32>
    %get3A_30 = arith.constant 0 : index
    %get3A_31 = arith.constant 0 : index
    %get3A_32 = vector.load %arg6[%get3A_30, %get3A_31] : memref<128x128xf32, #tpu.memory_space<vmem>>, vector<128x128xf32>
    %dot_general3A_33 = arith.constant dense<0.000000e+00> : vector<1024x128xf32>
    %dot_general3A_34 = tpu.matmul %get3A_29, %get3A_32, %dot_general3A_33 {dimension_numbers = #tpu.dot_dimension_numbers<[1], [0], [0], [1], [0, 0, 1, 1], [], []>, transpose_lhs_hint = false} : vector<1024x128xf32>, vector<128x128xf32>, vector<1024x128xf32> -> vector<1024x128xf32>
    %add3A_35 = arith.addf %dot_general3A_26, %dot_general3A_34 : vector<1024x128xf32>
    %get3A_36 = arith.constant 0 : index
    %get3A_37 = arith.constant 0 : index
    %get3A_38 = vector.load %arg7[%get3A_36, %get3A_37] : memref<1x128xf32, #tpu.memory_space<vmem>>, vector<1x128xf32>
    %add3A_39 = vector.broadcast %get3A_38 : vector<1x128xf32> to vector<1024x128xf32>
    %add3A_40 = arith.addf %add3A_35, %add3A_39 : vector<1024x128xf32>
    %max3A_41 = arith.constant 0.000000e+00 : f32
    %max3A_42 = vector.broadcast %max3A_41 : f32 to vector<1024x128xf32>
    %max3A_43 = arith.maximumf %add3A_40, %max3A_42 : vector<1024x128xf32>
    %swap3A = arith.constant 0 : index
    %swap3A_44 = arith.constant 0 : index
    %swap3A_45 = arith.constant 0 : index
    %swap3A_46 = vector.load %arg8[%swap3A, %swap3A_44, %swap3A_45] : memref<1x1024x128xf32, #tpu.memory_space<vmem>>, vector<1x1024x128xf32>
    %swap3A_47 = vector.shape_cast %swap3A_46 : vector<1x1024x128xf32> to vector<1024x128xf32>
    %swap3A_48 = vector.shape_cast %max3A_43 : vector<1024x128xf32> to vector<1x1024x128xf32>
    tpu.vector_store %arg8[%swap3A, %swap3A_44, %swap3A_45], %swap3A_48 {strides = array<i32>} : memref<1x1024x128xf32, #tpu.memory_space<vmem>>, vector<1x1024x128xf32>,
    return
  }
  func.func @transform_0(%arg0: i32, %arg1: i32) -> (i32, i32, i32) {
    %c0_i32 = arith.constant 0 : i32
    %c0_i32_0 = arith.constant 0 : i32
    %c0_i32_1 = arith.constant 0 : i32
    return %c0_i32, %arg0, %c0_i32_0 : i32, i32, i32
  }
  func.func @transform_1(%arg0: i32, %arg1: i32) -> (i32, i32, i32) {
    %c0_i32 = arith.constant 0 : i32
    %c0_i32_0 = arith.constant 0 : i32
    %c0_i32_1 = arith.constant 0 : i32
    return %c0_i32, %arg0, %c0_i32_0 : i32, i32, i32
  }
  func.func @transform_2(%arg0: i32, %arg1: i32) -> (i32, i32) {
    %c0_i32 = arith.constant 0 : i32
    %c0_i32_0 = arith.constant 0 : i32
    return %arg0, %c0_i32 : i32, i32
  }
  func.func @transform_3(%arg0: i32, %arg1: i32) -> (i32, i32) {
    %c0_i32 = arith.constant 0 : i32
    %c0_i32_0 = arith.constant 0 : i32
    return %c0_i32, %arg1 : i32, i32
  }
  func.func @transform_4(%arg0: i32, %arg1: i32) -> (i32, i32) {
    %c0_i32 = arith.constant 0 : i32
    %c0_i32_0 = arith.constant 0 : i32
    return %c0_i32, %arg1 : i32, i32
  }
  func.func @transform_5(%arg0: i32, %arg1: i32) -> (i32, i32) {
    %c0_i32 = arith.constant 0 : i32
    %c0_i32_0 = arith.constant 0 : i32
    return %c0_i32, %arg1 : i32, i32
  }
  func.func @transform_6(%arg0: i32, %arg1: i32) -> (i32, i32, i32) {
    %c0_i32 = arith.constant 0 : i32
    %c0_i32_0 = arith.constant 0 : i32
    return %arg1, %arg0, %c0_i32 : i32, i32, i32
  }
}

module attributes {stable_mosaic.version = 14 : i64} {
  func.func @_tc_layer2_body(%arg0: i32, %arg1: memref<2x1024x128xf32, #tpu.memory_space<vmem>>, %arg2: memref<2x1024x128xf32, #tpu.memory_space<vmem>>, %arg3: memref<2x1024x128xf32, #tpu.memory_space<vmem>>, %arg4: memref<256x256xf32, #tpu.memory_space<vmem>>, %arg5: memref<256x256xf32, #tpu.memory_space<vmem>>, %arg6: memref<1x256xf32, #tpu.memory_space<vmem>>, %arg7: memref<1024x1xi32, #tpu.memory_space<vmem>>, %arg8: memref<256x128xf32, #tpu.memory_space<vmem>>, %arg9: memref<1x128xf32, #tpu.memory_space<vmem>>, %arg10: memref<128x128xf32, #tpu.memory_space<vmem>>, %arg11: memref<128x256xf32, #tpu.memory_space<vmem>>, %arg12: memref<128x8xf32, #tpu.memory_space<vmem>>) attributes {dimension_semantics = [#tpu.dimension_semantics<arbitrary>], iteration_bounds = array<i64: 10>, scalar_prefetch = 0 : i64, scratch_operands = 2 : i64, tpu.core_type = #tpu.core_type<tc>, window_params = [{transform_indices = @transform_0, window_bounds = array<i64: 2, 1024, 128>}, {transform_indices = @transform_1, window_bounds = array<i64: 2, 1024, 128>}, {transform_indices = @transform_2, window_bounds = array<i64: 2, 1024, 128>}, {pipeline_mode = #tpu.pipeline_mode<synchronous>, transform_indices = @transform_3, window_bounds = array<i64: 256, 256>}, {pipeline_mode = #tpu.pipeline_mode<synchronous>, transform_indices = @transform_4, window_bounds = array<i64: 256, 256>}, {pipeline_mode = #tpu.pipeline_mode<synchronous>, transform_indices = @transform_5, window_bounds = array<i64: 1, 256>}, {transform_indices = @transform_6, window_bounds = array<i64: 1024, 1>}, {pipeline_mode = #tpu.pipeline_mode<synchronous>, transform_indices = @transform_7, window_bounds = array<i64: 256, 128>}, {pipeline_mode = #tpu.pipeline_mode<synchronous>, transform_indices = @transform_8, window_bounds = array<i64: 1, 128>}, {pipeline_mode = #tpu.pipeline_mode<synchronous>, transform_indices = @transform_9, window_bounds = array<i64: 128, 128>}]} {
    %get3A = arith.constant 0 : index
    %get3A_0 = arith.constant 0 : index
    %get3A_1 = arith.constant 0 : index
    %get3A_2 = vector.load %arg2[%get3A, %get3A_0, %get3A_1] : memref<2x1024x128xf32, #tpu.memory_space<vmem>>, vector<1x1024x1xf32>
    %get3A_3 = vector.shape_cast %get3A_2 : vector<1x1024x1xf32> to vector<1024x1xf32>
    %get3A_4 = arith.constant 1 : index
    %get3A_5 = arith.constant 0 : index
    %get3A_6 = arith.constant 0 : index
    %get3A_7 = vector.load %arg2[%get3A_4, %get3A_5, %get3A_6] : memref<2x1024x128xf32, #tpu.memory_space<vmem>>, vector<1x1024x1xf32>
    %get3A_8 = vector.shape_cast %get3A_7 : vector<1x1024x1xf32> to vector<1024x1xf32>
    %add3A = arith.addf %get3A_3, %get3A_8 : vector<1024x1xf32>
    %max3A = arith.constant 1.000000e+00 : f32
    %max3A_9 = vector.broadcast %max3A : f32 to vector<1024x1xf32>
    %max3A_10 = arith.maximumf %add3A, %max3A_9 : vector<1024x1xf32>
    %get3A_11 = arith.constant 0 : index
    %get3A_12 = arith.constant 0 : index
    %get3A_13 = arith.constant 0 : index
    %get3A_14 = vector.load %arg1[%get3A_11, %get3A_12, %get3A_13] : memref<2x1024x128xf32, #tpu.memory_space<vmem>>, vector<1x1024x128xf32>
    %get3A_15 = vector.shape_cast %get3A_14 : vector<1x1024x128xf32> to vector<1024x128xf32>
    %div3A = vector.broadcast %max3A_10 : vector<1024x1xf32> to vector<1024x128xf32>
    %div3A_16 = arith.divf %get3A_15, %div3A : vector<1024x128xf32>
    %get3A_17 = arith.constant 1 : index
    %get3A_18 = arith.constant 0 : index
    %get3A_19 = arith.constant 0 : index
    %get3A_20 = vector.load %arg1[%get3A_17, %get3A_18, %get3A_19] : memref<2x1024x128xf32, #tpu.memory_space<vmem>>, vector<1x1024x128xf32>
    %get3A_21 = vector.shape_cast %get3A_20 : vector<1x1024x128xf32> to vector<1024x128xf32>
    %div3A_22 = vector.broadcast %max3A_10 : vector<1024x1xf32> to vector<1024x128xf32>
    %div3A_23 = arith.divf %get3A_21, %div3A_22 : vector<1024x128xf32>
    %concatenate3A = tpu.concatenate %div3A_16, %div3A_23 in 1 : vector<1024x128xf32>, vector<1024x128xf32> -> vector<1024x256xf32>
    %get3A_24 = arith.constant 0 : index
    %get3A_25 = arith.constant 0 : index
    %get3A_26 = arith.constant 0 : index
    %get3A_27 = vector.load %arg3[%get3A_24, %get3A_25, %get3A_26] : memref<2x1024x128xf32, #tpu.memory_space<vmem>>, vector<1x1024x128xf32>
    %get3A_28 = vector.shape_cast %get3A_27 : vector<1x1024x128xf32> to vector<1024x128xf32>
    %get3A_29 = arith.constant 1 : index
    %get3A_30 = arith.constant 0 : index
    %get3A_31 = arith.constant 0 : index
    %get3A_32 = vector.load %arg3[%get3A_29, %get3A_30, %get3A_31] : memref<2x1024x128xf32, #tpu.memory_space<vmem>>, vector<1x1024x128xf32>
    %get3A_33 = vector.shape_cast %get3A_32 : vector<1x1024x128xf32> to vector<1024x128xf32>
    %concatenate3A_34 = tpu.concatenate %get3A_28, %get3A_33 in 1 : vector<1024x128xf32>, vector<1024x128xf32> -> vector<1024x256xf32>
    %get3A_35 = arith.constant 0 : index
    %get3A_36 = arith.constant 0 : index
    %get3A_37 = vector.load %arg4[%get3A_35, %get3A_36] : memref<256x256xf32, #tpu.memory_space<vmem>>, vector<256x256xf32>
    %dot_general3A = arith.constant dense<0.000000e+00> : vector<1024x256xf32>
    %dot_general3A_38 = tpu.matmul %concatenate3A, %get3A_37, %dot_general3A {dimension_numbers = #tpu.dot_dimension_numbers<[1], [0], [0], [1], [0, 0, 1, 1], [], []>, transpose_lhs_hint = false} : vector<1024x256xf32>, vector<256x256xf32>, vector<1024x256xf32> -> vector<1024x256xf32>
    %get3A_39 = arith.constant 0 : index
    %get3A_40 = arith.constant 0 : index
    %get3A_41 = vector.load %arg5[%get3A_39, %get3A_40] : memref<256x256xf32, #tpu.memory_space<vmem>>, vector<256x256xf32>
    %dot_general3A_42 = arith.constant dense<0.000000e+00> : vector<1024x256xf32>
    %dot_general3A_43 = tpu.matmul %concatenate3A_34, %get3A_41, %dot_general3A_42 {dimension_numbers = #tpu.dot_dimension_numbers<[1], [0], [0], [1], [0, 0, 1, 1], [], []>, transpose_lhs_hint = false} : vector<1024x256xf32>, vector<256x256xf32>, vector<1024x256xf32> -> vector<1024x256xf32>
    %add3A_44 = arith.addf %dot_general3A_38, %dot_general3A_43 : vector<1024x256xf32>
    %get3A_45 = arith.constant 0 : index
    %get3A_46 = arith.constant 0 : index
    %get3A_47 = vector.load %arg6[%get3A_45, %get3A_46] : memref<1x256xf32, #tpu.memory_space<vmem>>, vector<1x256xf32>
    %add3A_48 = vector.broadcast %get3A_47 : vector<1x256xf32> to vector<1024x256xf32>
    %add3A_49 = arith.addf %add3A_44, %add3A_48 : vector<1024x256xf32>
    %max3A_50 = arith.constant 0.000000e+00 : f32
    %max3A_51 = vector.broadcast %max3A_50 : f32 to vector<1024x256xf32>
    %max3A_52 = arith.maximumf %add3A_49, %max3A_51 : vector<1024x256xf32>
    %get3A_53 = arith.constant 0 : index
    %get3A_54 = arith.constant 0 : index
    %get3A_55 = vector.load %arg7[%get3A_53, %get3A_54] : memref<1024x1xi32, #tpu.memory_space<vmem>>, vector<1024x1xi32>
    %iota3A = tpu.iota {dimensions = array<i32: 1>} : vector<1024x128xi32>
    %eq3A = vector.broadcast %get3A_55 : vector<1024x1xi32> to vector<1024x128xi32>
    %eq3A_56 = arith.cmpi eq, %eq3A, %iota3A : vector<1024x128xi32>
    %convert_element_type3A = arith.extui %eq3A_56 : vector<1024x128xi1> to vector<1024x128xi32>
    %convert_element_type3A_57 = arith.sitofp %convert_element_type3A : vector<1024x128xi32> to vector<1024x128xf32>
    %dot_general3A_58 = arith.constant dense<0.000000e+00> : vector<128x256xf32>
    %dot_general3A_59 = tpu.matmul %convert_element_type3A_57, %max3A_52, %dot_general3A_58 {dimension_numbers = #tpu.dot_dimension_numbers<[0], [0], [1], [1], [0, 1, 1, 1], [], []>, transpose_lhs_hint = false} : vector<1024x128xf32>, vector<1024x256xf32>, vector<128x256xf32> -> vector<128x256xf32>
    %broadcast_in_dim3A = arith.constant 1.000000e+00 : f32
    %broadcast_in_dim3A_60 = vector.broadcast %broadcast_in_dim3A : f32 to vector<1024x8xf32>
    %dot_general3A_61 = arith.constant dense<0.000000e+00> : vector<128x8xf32>
    %dot_general3A_62 = tpu.matmul %convert_element_type3A_57, %broadcast_in_dim3A_60, %dot_general3A_61 {dimension_numbers = #tpu.dot_dimension_numbers<[0], [0], [1], [1], [0, 1, 1, 1], [], []>, transpose_lhs_hint = false} : vector<1024x128xf32>, vector<1024x8xf32>, vector<128x8xf32> -> vector<128x8xf32>
    %eq3A_63 = arith.constant 0 : i32
    %eq3A_64 = arith.cmpi eq, %arg0, %eq3A_63 : i32
    %convert_element_type3A_65 = arith.extui %eq3A_64 : i1 to i32
    %cond3A = arith.constant 0 : i32
    %cond3A_66 = arith.cmpi ne, %convert_element_type3A_65, %cond3A : i32
    scf.if %cond3A_66 {
      %swap3A = arith.constant 0 : index
      %swap3A_76 = arith.constant 0 : index
      %swap3A_77 = vector.load %arg11[%swap3A, %swap3A_76] : memref<128x256xf32, #tpu.memory_space<vmem>>, vector<128x256xf32>
      tpu.vector_store %arg11[%swap3A, %swap3A_76], %dot_general3A_59 {strides = array<i32>} : memref<128x256xf32, #tpu.memory_space<vmem>>, vector<128x256xf32>,
      %swap3A_78 = arith.constant 0 : index
      %swap3A_79 = arith.constant 0 : index
      %swap3A_80 = vector.load %arg12[%swap3A_78, %swap3A_79] : memref<128x8xf32, #tpu.memory_space<vmem>>, vector<128x8xf32>
      tpu.vector_store %arg12[%swap3A_78, %swap3A_79], %dot_general3A_62 {strides = array<i32>} : memref<128x8xf32, #tpu.memory_space<vmem>>, vector<128x8xf32>,
    } else {
    }
    %gt3A = arith.constant 0 : i32
    %gt3A_67 = arith.cmpi sgt, %arg0, %gt3A : i32
    %convert_element_type3A_68 = arith.extui %gt3A_67 : i1 to i32
    %cond3A_69 = arith.constant 0 : i32
    %cond3A_70 = arith.cmpi ne, %convert_element_type3A_68, %cond3A_69 : i32
    scf.if %cond3A_70 {
      %get3A_76 = arith.constant 0 : index
      %get3A_77 = arith.constant 0 : index
      %get3A_78 = vector.load %arg11[%get3A_76, %get3A_77] : memref<128x256xf32, #tpu.memory_space<vmem>>, vector<128x256xf32>
      %add3A_79 = arith.addf %get3A_78, %dot_general3A_59 : vector<128x256xf32>
      %swap3A = arith.constant 0 : index
      %swap3A_80 = arith.constant 0 : index
      %swap3A_81 = vector.load %arg11[%swap3A, %swap3A_80] : memref<128x256xf32, #tpu.memory_space<vmem>>, vector<128x256xf32>
      tpu.vector_store %arg11[%swap3A, %swap3A_80], %add3A_79 {strides = array<i32>} : memref<128x256xf32, #tpu.memory_space<vmem>>, vector<128x256xf32>,
      %get3A_82 = arith.constant 0 : index
      %get3A_83 = arith.constant 0 : index
      %get3A_84 = vector.load %arg12[%get3A_82, %get3A_83] : memref<128x8xf32, #tpu.memory_space<vmem>>, vector<128x8xf32>
      %add3A_85 = arith.addf %get3A_84, %dot_general3A_62 : vector<128x8xf32>
      %swap3A_86 = arith.constant 0 : index
      %swap3A_87 = arith.constant 0 : index
      %swap3A_88 = vector.load %arg12[%swap3A_86, %swap3A_87] : memref<128x8xf32, #tpu.memory_space<vmem>>, vector<128x8xf32>
      tpu.vector_store %arg12[%swap3A_86, %swap3A_87], %add3A_85 {strides = array<i32>} : memref<128x8xf32, #tpu.memory_space<vmem>>, vector<128x8xf32>,
    } else {
    }
    %eq3A_71 = arith.constant 9 : i32
    %eq3A_72 = arith.cmpi eq, %arg0, %eq3A_71 : i32
    %convert_element_type3A_73 = arith.extui %eq3A_72 : i1 to i32
    %cond3A_74 = arith.constant 0 : i32
    %cond3A_75 = arith.cmpi ne, %convert_element_type3A_73, %cond3A_74 : i32
    scf.if %cond3A_75 {
      %get3A_76 = arith.constant 0 : index
      %get3A_77 = arith.constant 0 : index
      %get3A_78 = vector.load %arg12[%get3A_76, %get3A_77] : memref<128x8xf32, #tpu.memory_space<vmem>>, vector<128x1xf32>
      %max3A_79 = arith.constant 1.000000e+00 : f32
      %max3A_80 = vector.broadcast %max3A_79 : f32 to vector<128x1xf32>
      %max3A_81 = arith.maximumf %get3A_78, %max3A_80 : vector<128x1xf32>
      %get3A_82 = arith.constant 0 : index
      %get3A_83 = arith.constant 0 : index
      %get3A_84 = vector.load %arg11[%get3A_82, %get3A_83] : memref<128x256xf32, #tpu.memory_space<vmem>>, vector<128x256xf32>
      %get3A_85 = arith.constant 0 : index
      %get3A_86 = arith.constant 0 : index
      %get3A_87 = vector.load %arg8[%get3A_85, %get3A_86] : memref<256x128xf32, #tpu.memory_space<vmem>>, vector<256x128xf32>
      %dot_general3A_88 = arith.constant dense<0.000000e+00> : vector<128x128xf32>
      %dot_general3A_89 = tpu.matmul %get3A_84, %get3A_87, %dot_general3A_88 {dimension_numbers = #tpu.dot_dimension_numbers<[1], [0], [0], [1], [0, 0, 1, 1], [], []>, transpose_lhs_hint = false} : vector<128x256xf32>, vector<256x128xf32>, vector<128x128xf32> -> vector<128x128xf32>
      %div3A_90 = vector.broadcast %max3A_81 : vector<128x1xf32> to vector<128x128xf32>
      %div3A_91 = arith.divf %dot_general3A_89, %div3A_90 : vector<128x128xf32>
      %get3A_92 = arith.constant 0 : index
      %get3A_93 = arith.constant 0 : index
      %get3A_94 = vector.load %arg9[%get3A_92, %get3A_93] : memref<1x128xf32, #tpu.memory_space<vmem>>, vector<1x128xf32>
      %add3A_95 = vector.broadcast %get3A_94 : vector<1x128xf32> to vector<128x128xf32>
      %add3A_96 = arith.addf %div3A_91, %add3A_95 : vector<128x128xf32>
      %swap3A = arith.constant 0 : index
      %swap3A_97 = arith.constant 0 : index
      %swap3A_98 = vector.load %arg10[%swap3A, %swap3A_97] : memref<128x128xf32, #tpu.memory_space<vmem>>, vector<128x128xf32>
      tpu.vector_store %arg10[%swap3A, %swap3A_97], %add3A_96 {strides = array<i32>} : memref<128x128xf32, #tpu.memory_space<vmem>>, vector<128x128xf32>,
    } else {
    }
    return
  }
  func.func @transform_0(%arg0: i32) -> (i32, i32, i32) {
    %c0_i32 = arith.constant 0 : i32
    %c0_i32_0 = arith.constant 0 : i32
    %c0_i32_1 = arith.constant 0 : i32
    return %c0_i32, %arg0, %c0_i32_0 : i32, i32, i32
  }
  func.func @transform_1(%arg0: i32) -> (i32, i32, i32) {
    %c0_i32 = arith.constant 0 : i32
    %c0_i32_0 = arith.constant 0 : i32
    %c0_i32_1 = arith.constant 0 : i32
    return %c0_i32, %arg0, %c0_i32_0 : i32, i32, i32
  }
  func.func @transform_2(%arg0: i32) -> (i32, i32, i32) {
    %c0_i32 = arith.constant 0 : i32
    %c0_i32_0 = arith.constant 0 : i32
    %c0_i32_1 = arith.constant 0 : i32
    return %c0_i32, %arg0, %c0_i32_0 : i32, i32, i32
  }
  func.func @transform_3(%arg0: i32) -> (i32, i32) {
    %c0_i32 = arith.constant 0 : i32
    %c0_i32_0 = arith.constant 0 : i32
    %c0_i32_1 = arith.constant 0 : i32
    return %c0_i32, %c0_i32_0 : i32, i32
  }
  func.func @transform_4(%arg0: i32) -> (i32, i32) {
    %c0_i32 = arith.constant 0 : i32
    %c0_i32_0 = arith.constant 0 : i32
    %c0_i32_1 = arith.constant 0 : i32
    return %c0_i32, %c0_i32_0 : i32, i32
  }
  func.func @transform_5(%arg0: i32) -> (i32, i32) {
    %c0_i32 = arith.constant 0 : i32
    %c0_i32_0 = arith.constant 0 : i32
    %c0_i32_1 = arith.constant 0 : i32
    return %c0_i32, %c0_i32_0 : i32, i32
  }
  func.func @transform_6(%arg0: i32) -> (i32, i32) {
    %c0_i32 = arith.constant 0 : i32
    %c0_i32_0 = arith.constant 0 : i32
    return %arg0, %c0_i32 : i32, i32
  }
  func.func @transform_7(%arg0: i32) -> (i32, i32) {
    %c0_i32 = arith.constant 0 : i32
    %c0_i32_0 = arith.constant 0 : i32
    %c0_i32_1 = arith.constant 0 : i32
    return %c0_i32, %c0_i32_0 : i32, i32
  }
  func.func @transform_8(%arg0: i32) -> (i32, i32) {
    %c0_i32 = arith.constant 0 : i32
    %c0_i32_0 = arith.constant 0 : i32
    %c0_i32_1 = arith.constant 0 : i32
    return %c0_i32, %c0_i32_0 : i32, i32
  }
  func.func @transform_9(%arg0: i32) -> (i32, i32) {
    %c0_i32 = arith.constant 0 : i32
    %c0_i32_0 = arith.constant 0 : i32
    %c0_i32_1 = arith.constant 0 : i32
    return %c0_i32, %c0_i32_0 : i32, i32
  }
}

</mosaic_0001>

<sc_bundles>
// kernel: kernel.6.cloned.1.call-start
scs
__scs_entry_jumppad:
0x0: {  	(pc) =	sbr.rel $0x88, $3  }
0x1: {  	(tag) =	ssettag $0x0;
	lr =	simm.s32 $0x1  }
0x2: {  	[smem:$0x3F96] =	sst lr;
	_ =	strace $0xD0000000  }
0x3: {  	_ = 	snop  }
0x4: {  	_ = 	snop  }
0x5: {  	_ = 	snop  }
0x6: {  	_ = 	snop  }
0x7: {  	_ = 	snop  }
__scs_overlays_trampoline_lowered:
0x8: {  	[smem:$0x3FA5] =	sst s0  }
0x9: {  	[smem:$0x3FA6] =	sst s1  }
0xa: {  	[smem:$0x3FA7] =	sst s2  }
0xb: {  	[smem:$0x3FA8] =	sst s3  }
0xc: {  	[smem:$0x3FA9] =	sst s4  }
0xd: {  	[smem:$0x3FAA] =	sst s5  }
0xe: {  	[smem:$0x3FAB] =	sst s6  }
0xf: {  	[smem:$0x3FAC] =	sst s7  }
0x10: {  	[smem:$0x3FAD] =	sst s8  }
0x11: {  	[smem:$0x3FAE] =	sst s9;
	s0 =	simm.s32 @!p0 $0x0  }
0x12: {  	s1 =	sld [smem:$0x3F94];
	s0 =	simm.s32 @p0 $0x1  }
0x13: {  	[smem:$0x3FAF] =	sst s0;
	s0 =	simm.s32 @!p1 $0x0  }
0x14: {  	s2 =	sld [smem:$0x3F93];
	s0 =	simm.s32 @p1 $0x1  }
0x15: {  	[smem:$0x3FB0] =	sst s0;
	s0 =	simm.s32 @!p2 $0x0  }
0x16: {  	s3 =	sld [smem:$0x3FDB];
	s0 =	simm.s32 @p2 $0x1  }
0x17: {  	s4 =	simm.s32 $0x1BF5;
	[smem:$0x3FB2] =	sst s0  }
0x18: {  	s0 =	sld [smem:$0x3F95];
	_ =	swait.ge [sflag:s4], $0x0  }
0x19: {  	s7 =	sld [smem:$0x3F96]  }
0x1a: {  	s8 =	sadd.s32 $0xFFFFE003, lr  }
0x1b: {  	s9 =	sadd.s32 $0xFFFFFEF7, lr;
	s5 =	simm.s32 $0xFFFFFFFF;
	p2 =	slt.u32 s8, $0xFFFFF086  }
0x1c: {  	p1 =	slt.u32 s9, $0xF7A;
	s5 =	simm.s32 @!p2 $0x0  }
0x1d: {  	s5 =	simm.s32 @p1 $0x1;
	p0 =	seq.s32 s7, s2  }
0x1e: {  	s7 =	smul.u32 @!p0 $0xF7A, s2;
	p2 =	seq.s32 @!p0 s5, $0x0  }
0x1f: {  	s9 =	smul.u32 $0xF7A, s1;
	s8 =	simm.s32 @!p0 $0x1BF5;
	p2 =	por !p2, p0  }
0x20: {  	[sflag:s8] =	ssyncset.s32 @!p0 $0xFFFFF086;
	s6 =	sadd.s32 @!p0 s3, s7;
	s7 =	simm.s32 @!p0 $0x108  }
0x21: {  	s3 =	sadd.s32 s3, s9;
	s6 =	sadd.s32 @!p0 $0x88, s6;
	s7 =	simm.s32 @p2 $0x1082  }
0x22: {  	[simem:s7], [sflag:s8] =	dma.local @!p0 [hbm:s6], $0xF7A  }
0x23: {  	s9 =	sor.u32 $0xD0000000, s2;
	s6 =	simm.s32 $0x108;
	_ =	swait.ge @!p0 [sflag:s8], $0x0  }
0x24: {  	s3 =	sadd.s32 $0x88, s3;
	s6 =	simm.s32 @!p1 $0x1082;
	[sflag:s4] =	ssyncset.s32 $0xFFFFF086  }
0x25: {  	[simem:s6], [sflag:s4] =	dma.local [hbm:s3], $0xF7A  }
0x26: {  	[smem:$0x3F96] =	sst s1;
	(tag) =	ssettag s2;
	_ =	strace s9  }
0x27: {  	s1 =	sld [smem:$0x3FA6]  }
0x28: {  	s2 =	sld [smem:$0x3FA7]  }
0x29: {  	s4 =	sld [smem:$0x3FA9]  }
0x2a: {  	p0 =	seq.s32 s5, $0x0;
	s5 =	sld [smem:$0x3FAA]  }
0x2b: {  	s6 =	sld [smem:$0x3FAB]  }
0x2c: {  	s7 =	sld [smem:$0x3FAC]  }
0x2d: {  	s3 =	simm.s32 $0x108;
	s8 =	sld [smem:$0x3FAD]  }
0x2e: {  	s3 =	simm.s32 @!p0 $0x1082;
	s9 =	sld [smem:$0x3FAE]  }
0x2f: {  	lr =	sadd.s32 s0, s3;
	s0 =	sld [smem:$0x3FA5]  }
0x30: {  	s3 =	sld [smem:$0x3FA8]  }
0x31: {  	[smem:$0x3FB1] =	sst s10  }
0x32: {  	s10 =	sld [smem:$0x3FAF];
	_ =	sdelay $0x3  }
0x33: {  	p0 =	seq.s32 s10, $0x1;
	s10 =	sld [smem:$0x3FB1];
	_ =	sdelay $0x3  }
0x34: {  	[smem:$0x3FB1] =	sst s10  }
0x35: {  	s10 =	sld [smem:$0x3FB0];
	_ =	sdelay $0x3  }
0x36: {  	p1 =	seq.s32 s10, $0x1;
	s10 =	sld [smem:$0x3FB1];
	_ =	sdelay $0x3  }
0x37: {  	[smem:$0x3FB1] =	sst s10  }
0x38: {  	s10 =	sld [smem:$0x3FB2]  }
0x39: {  	_ = 	snop;
	(pc) =	sbr.ind lr, $3  }
0x3a: {  	_ = 	snop  }
0x3b: {  	_ = 	snop  }
0x3c: {  	p2 =	seq.s32 s10, $0x1;
	s10 =	sld [smem:$0x3FB1]  }
0x3d: {  	_ =	shalt  }
0x3e: {  	_ =	shalt  }
0x3f: {  	_ =	shalt  }
0x40: {  	_ =	shalt  }
0x41: {  	_ =	shalt  }
0x42: {  	_ =	shalt  }
0x43: {  	_ =	shalt  }
0x44: {  	_ =	shalt  }
0x45: {  	_ =	shalt  }
0x46: {  	_ =	shalt  }
0x47: {  	_ =	shalt  }
0x48: {  	_ =	shalt  }
0x49: {  	_ =	shalt  }
0x4a: {  	_ =	shalt  }
0x4b: {  	_ =	shalt  }
0x4c: {  	_ =	shalt  }
0x4d: {  	_ =	shalt  }
0x4e: {  	_ =	shalt  }
0x4f: {  	_ =	shalt  }
0x50: {  	_ =	shalt  }
0x51: {  	_ =	shalt  }
0x52: {  	_ =	shalt  }
0x53: {  	_ =	shalt  }
0x54: {  	_ =	shalt  }
0x55: {  	_ =	shalt  }
0x56: {  	_ =	shalt  }
0x57: {  	_ =	shalt  }
0x58: {  	_ =	shalt  }
0x59: {  	_ =	shalt  }
0x5a: {  	_ =	shalt  }
0x5b: {  	_ =	shalt  }
0x5c: {  	_ =	shalt  }
0x5d: {  	_ =	shalt  }
0x5e: {  	_ =	shalt  }
0x5f: {  	_ =	shalt  }
0x60: {  	_ =	shalt  }
0x61: {  	_ =	shalt  }
0x62: {  	_ =	shalt  }
0x63: {  	_ =	shalt  }
0x64: {  	_ =	shalt  }
0x65: {  	_ =	shalt  }
0x66: {  	_ =	shalt  }
0x67: {  	_ =	shalt  }
0x68: {  	_ =	shalt  }
0x69: {  	_ =	shalt  }
0x6a: {  	_ =	shalt  }
0x6b: {  	_ =	shalt  }
0x6c: {  	_ =	shalt  }
0x6d: {  	_ =	shalt  }
0x6e: {  	_ =	shalt  }
0x6f: {  	_ =	shalt  }
0x70: {  	_ =	shalt  }
0x71: {  	_ =	shalt  }
0x72: {  	_ =	shalt  }
0x73: {  	_ =	shalt  }
0x74: {  	_ =	shalt  }
0x75: {  	_ =	shalt  }
0x76: {  	_ =	shalt  }
0x77: {  	_ =	shalt  }
0x78: {  	_ =	shalt  }
0x79: {  	_ =	shalt  }
0x7a: {  	_ =	shalt  }
0x7b: {  	_ =	shalt  }
0x7c: {  	_ =	shalt  }
0x7d: {  	_ =	shalt  }
0x7e: {  	_ =	shalt  }
0x7f: {  	_ =	shalt  }
0x80: {  	_ =	shalt  }
0x81: {  	_ =	shalt  }
0x82: {  	_ =	shalt  }
0x83: {  	_ =	shalt  }
0x84: {  	_ =	shalt  }
0x85: {  	_ =	shalt  }
0x86: {  	_ =	shalt  }
0x87: {  	_ =	shalt  }
.Lfunc_end0:
.L_simem_size_0:
called_computation_lowered:
.L_overlay_start_0:
0x88: {  	s2 =	sld [smem:$0x3FD9]  }
0x89: {  	s3 =	sld [smem:$0x3FFE];
	_ =	sdelay $0x1  }
0x8a: {  	s1 =	srdreg.scid  }
0x8b: {  	s0 =	sand.u32 $0x1, s1  }
0x8c: {  	s16 =	sshll.u32 s0, $0xA;
	s2 =	sadd.s32 s3, s2  }
0x8d: {  	s2 =	sadd.s32 s2, s16  }
0x8e: {  	[smem:$0x3FBD] =	sst s2  }
0x8f: {  	_ = 	snop  }
0x90: {  	(tm) =	ssettm $0x1  }
0x91: {  	s17 =	sld [smem:$0x3FFB];
	_ =	sdelay $0x3  }
0x92: {  	_ =	strace s17  }
0x93: {  	s2 =	sld [smem:$0x3FFC];
	_ =	sdelay $0x3  }
0x94: {  	_ =	strace s2  }
0x95: {  	s2 =	sld [smem:$0x3FFD];
	_ =	sdelay $0x3  }
0x96: {  	_ =	strace s2  }
0x97: {  	_ =	strace $0x8FFFFFFF  }
0x98: {  	s18 =	sld [smem:$0x3FDB];
	_ =	sdelay $0x1  }
0x99: {  	s19 =	simm.s32 $_scs_section_size  }
0x9a: {  	s4 =	simm.s32 $_size__tile_overlayer_lowered;
	s5 =	simm.s32 $_tile_overlayer_lowered  }
0x9b: {  	s22 =	simm.s32 $0x1BFF;
	s21 =	sshll.u32 s5, $0x1;
	s2 =	sadd.s32 s19, s18  }
0x9c: {  	s6 =	simm.s32 $0x0;
	s20 =	sshll.u32 s4, $0x1;
	s4 =	sadd.s32 s21, s2  }
0x9d: {  	[timem:s6], [sflag:s22] =	dma.local [hbm:s4], s20  }
0x9e: {  	_ =	swait.ge [sflag:s22], s20  }
0x9f: {  	s3 =	ssub.s32 $0x0, s20;
	[sflag:s22] =	ssyncset.done $0x0  }
0xa0: {  	[sflag:s22] =	ssyncadd.s32 s3;
	_ =	sdelay $0x1  }
0xa1: {  	s23 =	simm.s32 $0x1B8B  }
0xa2: {  	_ =	swait.ge [sflag:s23], $0x1  }
0xa3: {  	[sflag:s23] =	ssyncset.done $0x0  }
0xa4: {  	s25 =	simm.s32 $0x1B8E;
	s24 =	sld [smem:$0x3FFE];
	[sflag:s23] =	ssyncadd.s32 $0xFFFFFFFF  }
0xa5: {  	s26 =	simm.s32 $execute0_lowered;
	[smem:$0x3FD2] =	sst s25  }
0xa6: {  	s4 =	sshll.u32 s26, $0x1;
	_ =	strace $0x80000046;
	[dreg:$0x1] =	wrdreg $0xFFFFFFFF  }
0xa7: {  	s28 =	simm.s32 $_size_execute0_lowered;
	s2 =	sadd.s32 s2, s4;
	[dreg:$0x0] =	wrdreg $0x0  }
0xa8: {  	s4 =	sshll.u32 s28, $0x1;
	[dreg:$0x2] =	wrdreg s2  }
0xa9: {  	[dreg:$0x3] =	wrdreg s4  }
0xaa: {  	[dreg:$0x4] =	wrdreg $0xC0  }
0xab: {  	_ =	task [dreg:s6], $0x5FFFF  }
0xac: {  	[dreg:$0x1] =	wrdreg $0xFFFFFFFF  }
0xad: {  	[dreg:$0x0] =	wrdreg $0x60  }
0xae: {  	[dreg:$0x2] =	wrdreg s24  }
0xaf: {  	[dreg:$0x3] =	wrdreg $0x41000  }
0xb0: {  	[dreg:$0x4] =	wrdreg $0x9  }
0xb1: {  	_ =	task.clear_ibuf [dreg:s6], $0x5FFFF;
	_ =	strace $0x90000046  }
0xb2: {  	s29 =	simm.s32 $0x9;
	_ =	strace $0x80000048  }
0xb3: {  	_ =	swait.ge [sflag:s29], $0x1  }
0xb4: {  	[sflag:s29] =	ssyncadd.s32 $0xFFFFFFFF  }
0xb5: {  	_ =	strace $0x90000048  }
0xb6: {  	_ =	sfence  }
0xb7: {  	s30 =	sld [smem:$0x0];
	_ =	sdelay $0x2  }
0xb8: {  	s31 =	sshll.u32 s1, $0xD;
	s1 =	sshrl.u32 s1, $0x2  }
0xb9: {  	s3 =	sand.u32 $0x4000, s31;
	s1 =	sadd.s32 s1, s30  }
0xba: {  	s0 =	sor.u32 s3, s0;
	s1 =	sshll.u32 s1, $0x11  }
0xbb: {  	s0 =	sor.u32 s1, s0  }
0xbc: {  	s0 =	sadd.s32 $0x8F2B, s0  }
0xbd: {  	[sflag:s0] =	ssyncadd.remote.s32 $0x1  }
0xbe: {  	_ =	sfence.sel $0xFFFF  }
0xbf: {  	[dreg:$0x0] =	wrdreg $0xFFFFFFFF;
	(pc) =	sbr.abs _section_cstart, $3  }
0xc0: {  	[dreg:$0x1] =	wrdreg $0xFFFFFFFF  }
0xc1: {  	_ =	task.clear_ibuf [dreg:s6], $0x2FFFF;
	_ =	strace $0x9FFFFFFF  }
0xc2: {  	(tm) =	ssettm $0x7FFFFFFF  }
0xc3: {  	_ =	shalt  }
tec
execute0_lowered:
.L_overlay_start_1:
0x0: {  	(tag) =	ssettag $0x1  }
0x1: {  	s6 =	rddreg [dreg:$0x0]  }
0x2: {  	s2 =	rddreg [dreg:$0x1]  }
0x3: {  	s0 =	rddreg [dreg:$0x2]  }
0x4: {  	s1 =	stileid.u32;
	s3 =	simm.s32 $0x0;
	s4 =	srdreg.scid  }
0x5: {  	s16 =	simm.s32 $0x80;
	s17 =	simm.s32 $0x100;
	s18 =	simm.s32 $0x1  }
0x6: {  	s19 =	simm.s32 $0x0;
	s5 =	smul.u32 $0x9E0, s1;
	[smem:$0x7FF] =	sst s3  }
0x7: {  	s7 =	smul.u32 $0x14000, s1;
	s8 =	sand.u32 $0x1, s4;
	s4 =	sadd.s32 $0x15C00, s6  }
0x8: {  	s26 =	smul.u32 $0x50000, s1;
	s30 =	sshll.u32 s1, $0x6;
	_ =	strace $0x80000047  }
0x9: {  	s9 =	smul.u32 $0x140000, s8;
	s12 =	ssub.s32 $0x2, s8;
	p0 =	seq.s32 s8, $0x0  }
0xa: {  	s15 =	smul.u32 $0x5E0, s8;
	s8 =	sor.u32 $0x1C02, s30;
	s11 =	sadd.s32 s5, s6  }
0xb: {  	s25 =	sshrl.u32 s7, $0x3;
	s5 =	sadd.s32 $0x65C00, s6;
	s28 =	sshrl.u32 s12, $0x1  }
0xc: {  	s29 =	sshrl.u32 s26, $0x2;
	s10 =	sadd.s32 s25, s6;
	s7 =	sadd.s32 s7, s9  }
0xd: {  	s12 =	ssub.s32 s12, s28;
	s14 =	sadd.s32 s29, s2;
	s31 =	sadd.s32 s15, s11  }
0xe: {  	s15 =	simm.s32 $0x2;
	s7 =	sshrl.u32 s7, $0x3;
	s11 =	smax.u32 s12, $0x1  }
0xf: {  	s12 =	sadd.s32 $0x2000, s31;
	s13 =	sadd.s32 s7, s6;
	s6 =	simm.s32 $0x5E  }
0x10: {  	s14 =	sshrl.u32 s14, $0x3;
	s7 =	sadd.s32 $0x3DC00, s10;
	s6 =	simm.s32 @!p0 $0x40  }
0x11: {  	s9 =	sadd.s32 $0x66400, s13;
	s10 =	sadd.s32 $0xB6400, s13;
	s13 =	sadd.s32 $0xBE00, s31  }
.LBB2_1:
0x12: {  	[spmem:s14], [sflag:s8] =	dma.local [hbm:s7], $0x2800  }
0x13: {  	_ =	swait.ge [sflag:s15], $0x2800  }
0x14: {  	[sflag:s15] =	ssyncset.done $0x0  }
0x15: {  	[sflag:s15] =	ssyncadd.s32 $0xFFFFD800  }
0x16: {  	[bflag:$0x0] =	sbarrier.arrive $0xFFFF  }
0x17: {  	[tilespmem:s3], [sflag:$0x2] =	stream.linear.gather [hbm4b:s13+s3], $0x80, $0x38;
	[tilespmem:$0x18100] =	vst v63  }
0x18: {  	_ =	swait.ge [sflag:s15], $0x80  }
0x19: {  	[sflag:s15] =	ssyncset.done $0x0  }
0x1a: {  	[sflag:s15] =	ssyncadd.s32 $0xFFFFFF80  }
0x1b: {  	[tilespmem:s16], [sflag:$0x2] =	stream.linear.gather [hbm4b:s12+s3], $0x80, $0x38;
	[tilespmem:$0x18100] =	vst v63  }
0x1c: {  	_ =	swait.ge [sflag:s15], $0x80  }
0x1d: {  	[sflag:s15] =	ssyncset.done $0x0  }
0x1e: {  	[sflag:s15] =	ssyncadd.s32 $0xFFFFFF80  }
0x1f: {  	[tilespmem:s17], [sflag:$0x1] =	stream.indirect.gather [hbm4b:s4+s16], $0x80, s3, s16, $0xb8;
	[tilespmem:$0x18100] =	vst v63  }
0x20: {  	p0 =	sne.s32 s6, $0x1;
	_ =	swait.ge [sflag:s18], $0x4000  }
.Ltmp0:
0x21: {  	[sflag:s18] =	ssyncset.done $0x0;
	(pc) =	sbr.rel @!p0 .LBB2_3-.Ltmp0, $4  }
0x22: {  	[sflag:s18] =	ssyncadd.s32 $0xFFFFC000  }
0x23: {  	[spmem:s2] =	stream.indirect.scatter.add.f32 [tilespmem:s17], [sflag:$0x2], $0x80, s16, s16, $0xb8;
	[tilespmem:$0x18100] =	vst v63  }
0x24: {  	s20 =	sadd.s32 $0xFFFFFFFF, s6;
	_ =	swait.ge [sflag:s15], $0x4000  }
0x25: {  	s21 =	smov.u32 s12;
	s22 =	smov.u32 s13;
	[sflag:s15] =	ssyncset.done $0x0  }
.LBB2_2:
0x26: {  	[sflag:s15] =	ssyncadd.s32 $0xFFFFC000;
	s21 =	sadd.s32 $0x10, s21;
	s22 =	sadd.s32 $0x10, s22  }
0x27: {  	[tilespmem:s3], [sflag:$0x2] =	stream.linear.gather [hbm4b:s22+s3], $0x80, $0x38;
	[tilespmem:$0x18100] =	vst v63  }
0x28: {  	p1 =	sne.s32 s20, $0x1;
	s20 =	sadd.s32 $0xFFFFFFFF, s20;
	_ =	swait.ge [sflag:s15], $0x80  }
0x29: {  	[sflag:s15] =	ssyncset.done $0x0  }
0x2a: {  	[sflag:s15] =	ssyncadd.s32 $0xFFFFFF80  }
0x2b: {  	[tilespmem:s16], [sflag:$0x2] =	stream.linear.gather [hbm4b:s21+s3], $0x80, $0x38;
	[tilespmem:$0x18100] =	vst v63  }
0x2c: {  	_ =	swait.ge [sflag:s15], $0x80  }
0x2d: {  	[sflag:s15] =	ssyncset.done $0x0  }
0x2e: {  	[sflag:s15] =	ssyncadd.s32 $0xFFFFFF80  }
0x2f: {  	[tilespmem:s17], [sflag:$0x1] =	stream.indirect.gather [hbm4b:s4+s16], $0x80, s3, s16, $0xb8;
	[tilespmem:$0x18100] =	vst v63  }
0x30: {  	_ =	swait.ge [sflag:s18], $0x4000  }
.Ltmp1:
0x31: {  	[sflag:s18] =	ssyncset.done $0x0;
	(pc) =	sbr.rel @p1 .LBB2_2-.Ltmp1, $4  }
0x32: {  	[sflag:s18] =	ssyncadd.s32 $0xFFFFC000  }
0x33: {  	[spmem:s2] =	stream.indirect.scatter.add.f32 [tilespmem:s17], [sflag:$0x2], $0x80, s16, s16, $0xb8;
	[tilespmem:$0x18100] =	vst v63  }
0x34: {  	_ =	swait.ge [sflag:s15], $0x4000  }
0x35: {  	[sflag:s15] =	ssyncset.done $0x0  }
.LBB2_3:
0x36: {  	[sflag:s15] =	ssyncadd.s32 $0xFFFFC000  }
0x37: {  	[bflag:$0x0] =	sbarrier.arrive $0xFFFF  }
0x38: {  	[hbm:s9], [sflag:s8] =	dma.local [spmem:s14], $0x2800  }
0x39: {  	_ =	swait.ge [sflag:s15], $0x2800  }
0x3a: {  	[sflag:s15] =	ssyncset.done $0x0  }
0x3b: {  	[sflag:s15] =	ssyncadd.s32 $0xFFFFD800  }
0x3c: {  	[bflag:$0x0] =	sbarrier.arrive $0xFFFF  }
0x3d: {  	[spmem:s14], [sflag:s8] =	dma.local [hbm:s7], $0x2800  }
0x3e: {  	_ =	swait.ge [sflag:s15], $0x2800  }
0x3f: {  	[sflag:s15] =	ssyncset.done $0x0  }
0x40: {  	[sflag:s15] =	ssyncadd.s32 $0xFFFFD800  }
0x41: {  	[tilespmem:s17], [sflag:$0x2] =	stream.linear.gather [hbm4b:s5+s3], $0x4000, $0x38;
	[tilespmem:$0x18100] =	vst v63  }
0x42: {  	_ =	swait.ge [sflag:s15], $0x4000  }
0x43: {  	[sflag:s15] =	ssyncset.done $0x0  }
0x44: {  	[sflag:s15] =	ssyncadd.s32 $0xFFFFC000  }
0x45: {  	[bflag:$0x0] =	sbarrier.arrive $0xFFFF  }
0x46: {  	[tilespmem:s16], [sflag:$0x2] =	stream.linear.gather [hbm4b:s12+s3], $0x80, $0x38;
	[tilespmem:$0x18100] =	vst v63  }
0x47: {  	_ =	swait.ge [sflag:s15], $0x80  }
.Ltmp2:
0x48: {  	[sflag:s15] =	ssyncset.done $0x0;
	(pc) =	sbr.rel @!p0 .LBB2_5-.Ltmp2, $4  }
0x49: {  	[sflag:s15] =	ssyncadd.s32 $0xFFFFFF80  }
0x4a: {  	[spmem:s2] =	stream.indirect.scatter.add.f32 [tilespmem:s17], [sflag:$0x2], $0x80, s16, s16, $0xb8;
	[tilespmem:$0x18100] =	vst v63  }
0x4b: {  	_ =	swait.ge [sflag:s15], $0x4000  }
0x4c: {  	s20 =	sadd.s32 $0xFFFFFFFF, s6;
	s21 =	smov.u32 s12;
	[sflag:s15] =	ssyncset.done $0x0  }
.LBB2_4:
0x4d: {  	p0 =	sne.s32 s20, $0x1;
	[sflag:s15] =	ssyncadd.s32 $0xFFFFC000;
	s21 =	sadd.s32 $0x10, s21  }
0x4e: {  	[tilespmem:s16], [sflag:$0x2] =	stream.linear.gather [hbm4b:s21+s3], $0x80, $0x38;
	[tilespmem:$0x18100] =	vst v63  }
0x4f: {  	s20 =	sadd.s32 $0xFFFFFFFF, s20;
	_ =	swait.ge [sflag:s15], $0x80  }
.Ltmp3:
0x50: {  	[sflag:s15] =	ssyncset.done $0x0;
	(pc) =	sbr.rel @p0 .LBB2_4-.Ltmp3, $4  }
0x51: {  	[sflag:s15] =	ssyncadd.s32 $0xFFFFFF80  }
0x52: {  	[spmem:s2] =	stream.indirect.scatter.add.f32 [tilespmem:s17], [sflag:$0x2], $0x80, s16, s16, $0xb8;
	[tilespmem:$0x18100] =	vst v63  }
0x53: {  	_ =	swait.ge [sflag:s15], $0x4000  }
0x54: {  	[sflag:s15] =	ssyncset.done $0x0  }
.LBB2_5:
0x55: {  	s19 =	sadd.s32 $0x1, s19  }
0x56: {  	[sflag:s15] =	ssyncadd.s32 $0xFFFFC000;
	p0 =	sne.s32 s19, s11  }
.Ltmp4:
0x57: {  	[bflag:$0x0] =	sbarrier.arrive $0xFFFF;
	(pc) =	sbr.rel @p0 .LBB2_1-.Ltmp4, $4  }
0x58: {  	[hbm:s10], [sflag:s8] =	dma.local [spmem:s14], $0x2800  }
0x59: {  	_ =	swait.ge [sflag:s15], $0x2800  }
0x5a: {  	[sflag:s15] =	ssyncset.done $0x0  }
0x5b: {  	[sflag:s15] =	ssyncadd.s32 $0xFFFFD800  }
0x5c: {  	_ =	sfence.sel $0x180000  }
0x5d: {  	[bflag:$0x0] =	sbarrier.arrive $0xFFFF  }
0x5e: {  	p0 =	sne.s32 s1, $0x0;
	_ =	strace $0x90000047  }
0x5f: {  	s0 =	sadd.s32 @!p0 $0x100000, s0;
	[bflag:$0x2] =	sbarrier.arrive $0xFFFF  }
0x60: {  	[sflag:s0] =	ssyncadd.tile.s32 @!p0 $0x1;
	_ =	shalt  }
.Lfunc_end2:
_tile_overlayer_lowered:
.L_overlay_start_2:
0x61: {  	(tag) =	ssettag $0x2  }
0x62: {  	s0 =	rddreg [dreg:$0x0];
	s2 =	stileid.u32  }
0x63: {  	s1 =	rddreg [dreg:$0x1];
	p0 =	sne.s32 s2, $0x0  }
0x64: {  	s3 =	rddreg [dreg:$0x2];
	[bflag:$0x3] =	sbarrier.arrive $0xFFFF;
	s2 =	simm.s32 @!p0 $0x1C02  }
0x65: {  	[timem:s3], [sflag:s2] =	dma.local @!p0 [hbm:s0], s1  }
0x66: {  	s0 =	simm.s32 @!p0 $0x2  }
0x67: {  	_ =	swait.ge @!p0 [sflag:s0], s1  }
0x68: {  	s1 =	ssub.s32 @!p0 $0x0, s1;
	[sflag:s0] =	ssyncset.done @!p0 $0x0  }
0x69: {  	[sflag:s0] =	ssyncadd.s32 @!p0 s1  }
0x6a: {  	[bflag:$0x3] =	sbarrier.arrive $0xFFFF  }
0x6b: {  	_ =	shalt  }

// kernel: kernel.9.cloned.1.call-start
scs
__scs_entry_jumppad:
0x0: {  	(pc) =	sbr.rel $0x88, $3  }
0x1: {  	(tag) =	ssettag $0x0;
	lr =	simm.s32 $0x1  }
0x2: {  	[smem:$0x3F96] =	sst lr;
	_ =	strace $0xD0000000  }
0x3: {  	_ = 	snop  }
0x4: {  	_ = 	snop  }
0x5: {  	_ = 	snop  }
0x6: {  	_ = 	snop  }
0x7: {  	_ = 	snop  }
__scs_overlays_trampoline_lowered:
0x8: {  	[smem:$0x3FA5] =	sst s0  }
0x9: {  	[smem:$0x3FA6] =	sst s1  }
0xa: {  	[smem:$0x3FA7] =	sst s2  }
0xb: {  	[smem:$0x3FA8] =	sst s3  }
0xc: {  	[smem:$0x3FA9] =	sst s4  }
0xd: {  	[smem:$0x3FAA] =	sst s5  }
0xe: {  	[smem:$0x3FAB] =	sst s6  }
0xf: {  	[smem:$0x3FAC] =	sst s7  }
0x10: {  	[smem:$0x3FAD] =	sst s8  }
0x11: {  	[smem:$0x3FAE] =	sst s9;
	s0 =	simm.s32 @!p0 $0x0  }
0x12: {  	s1 =	sld [smem:$0x3F94];
	s0 =	simm.s32 @p0 $0x1  }
0x13: {  	[smem:$0x3FAF] =	sst s0;
	s0 =	simm.s32 @!p1 $0x0  }
0x14: {  	s2 =	sld [smem:$0x3F93];
	s0 =	simm.s32 @p1 $0x1  }
0x15: {  	[smem:$0x3FB0] =	sst s0;
	s0 =	simm.s32 @!p2 $0x0  }
0x16: {  	s3 =	sld [smem:$0x3FDB];
	s0 =	simm.s32 @p2 $0x1  }
0x17: {  	s4 =	simm.s32 $0x1BF5;
	[smem:$0x3FB2] =	sst s0  }
0x18: {  	s0 =	sld [smem:$0x3F95];
	_ =	swait.ge [sflag:s4], $0x0  }
0x19: {  	s7 =	sld [smem:$0x3F96]  }
0x1a: {  	s8 =	sadd.s32 $0xFFFFE003, lr  }
0x1b: {  	s9 =	sadd.s32 $0xFFFFFEF7, lr;
	s5 =	simm.s32 $0xFFFFFFFF;
	p2 =	slt.u32 s8, $0xFFFFF086  }
0x1c: {  	p1 =	slt.u32 s9, $0xF7A;
	s5 =	simm.s32 @!p2 $0x0  }
0x1d: {  	s5 =	simm.s32 @p1 $0x1;
	p0 =	seq.s32 s7, s2  }
0x1e: {  	s7 =	smul.u32 @!p0 $0xF7A, s2;
	p2 =	seq.s32 @!p0 s5, $0x0  }
0x1f: {  	s9 =	smul.u32 $0xF7A, s1;
	s8 =	simm.s32 @!p0 $0x1BF5;
	p2 =	por !p2, p0  }
0x20: {  	[sflag:s8] =	ssyncset.s32 @!p0 $0xFFFFF086;
	s6 =	sadd.s32 @!p0 s3, s7;
	s7 =	simm.s32 @!p0 $0x108  }
0x21: {  	s3 =	sadd.s32 s3, s9;
	s6 =	sadd.s32 @!p0 $0x88, s6;
	s7 =	simm.s32 @p2 $0x1082  }
0x22: {  	[simem:s7], [sflag:s8] =	dma.local @!p0 [hbm:s6], $0xF7A  }
0x23: {  	s9 =	sor.u32 $0xD0000000, s2;
	s6 =	simm.s32 $0x108;
	_ =	swait.ge @!p0 [sflag:s8], $0x0  }
0x24: {  	s3 =	sadd.s32 $0x88, s3;
	s6 =	simm.s32 @!p1 $0x1082;
	[sflag:s4] =	ssyncset.s32 $0xFFFFF086  }
0x25: {  	[simem:s6], [sflag:s4] =	dma.local [hbm:s3], $0xF7A  }
0x26: {  	[smem:$0x3F96] =	sst s1;
	(tag) =	ssettag s2;
	_ =	strace s9  }
0x27: {  	s1 =	sld [smem:$0x3FA6]  }
0x28: {  	s2 =	sld [smem:$0x3FA7]  }
0x29: {  	s4 =	sld [smem:$0x3FA9]  }
0x2a: {  	p0 =	seq.s32 s5, $0x0;
	s5 =	sld [smem:$0x3FAA]  }
0x2b: {  	s6 =	sld [smem:$0x3FAB]  }
0x2c: {  	s7 =	sld [smem:$0x3FAC]  }
0x2d: {  	s3 =	simm.s32 $0x108;
	s8 =	sld [smem:$0x3FAD]  }
0x2e: {  	s3 =	simm.s32 @!p0 $0x1082;
	s9 =	sld [smem:$0x3FAE]  }
0x2f: {  	lr =	sadd.s32 s0, s3;
	s0 =	sld [smem:$0x3FA5]  }
0x30: {  	s3 =	sld [smem:$0x3FA8]  }
0x31: {  	[smem:$0x3FB1] =	sst s10  }
0x32: {  	s10 =	sld [smem:$0x3FAF];
	_ =	sdelay $0x3  }
0x33: {  	p0 =	seq.s32 s10, $0x1;
	s10 =	sld [smem:$0x3FB1];
	_ =	sdelay $0x3  }
0x34: {  	[smem:$0x3FB1] =	sst s10  }
0x35: {  	s10 =	sld [smem:$0x3FB0];
	_ =	sdelay $0x3  }
0x36: {  	p1 =	seq.s32 s10, $0x1;
	s10 =	sld [smem:$0x3FB1];
	_ =	sdelay $0x3  }
0x37: {  	[smem:$0x3FB1] =	sst s10  }
0x38: {  	s10 =	sld [smem:$0x3FB2]  }
0x39: {  	_ = 	snop;
	(pc) =	sbr.ind lr, $3  }
0x3a: {  	_ = 	snop  }
0x3b: {  	_ = 	snop  }
0x3c: {  	p2 =	seq.s32 s10, $0x1;
	s10 =	sld [smem:$0x3FB1]  }
0x3d: {  	_ =	shalt  }
0x3e: {  	_ =	shalt  }
0x3f: {  	_ =	shalt  }
0x40: {  	_ =	shalt  }
0x41: {  	_ =	shalt  }
0x42: {  	_ =	shalt  }
0x43: {  	_ =	shalt  }
0x44: {  	_ =	shalt  }
0x45: {  	_ =	shalt  }
0x46: {  	_ =	shalt  }
0x47: {  	_ =	shalt  }
0x48: {  	_ =	shalt  }
0x49: {  	_ =	shalt  }
0x4a: {  	_ =	shalt  }
0x4b: {  	_ =	shalt  }
0x4c: {  	_ =	shalt  }
0x4d: {  	_ =	shalt  }
0x4e: {  	_ =	shalt  }
0x4f: {  	_ =	shalt  }
0x50: {  	_ =	shalt  }
0x51: {  	_ =	shalt  }
0x52: {  	_ =	shalt  }
0x53: {  	_ =	shalt  }
0x54: {  	_ =	shalt  }
0x55: {  	_ =	shalt  }
0x56: {  	_ =	shalt  }
0x57: {  	_ =	shalt  }
0x58: {  	_ =	shalt  }
0x59: {  	_ =	shalt  }
0x5a: {  	_ =	shalt  }
0x5b: {  	_ =	shalt  }
0x5c: {  	_ =	shalt  }
0x5d: {  	_ =	shalt  }
0x5e: {  	_ =	shalt  }
0x5f: {  	_ =	shalt  }
0x60: {  	_ =	shalt  }
0x61: {  	_ =	shalt  }
0x62: {  	_ =	shalt  }
0x63: {  	_ =	shalt  }
0x64: {  	_ =	shalt  }
0x65: {  	_ =	shalt  }
0x66: {  	_ =	shalt  }
0x67: {  	_ =	shalt  }
0x68: {  	_ =	shalt  }
0x69: {  	_ =	shalt  }
0x6a: {  	_ =	shalt  }
0x6b: {  	_ =	shalt  }
0x6c: {  	_ =	shalt  }
0x6d: {  	_ =	shalt  }
0x6e: {  	_ =	shalt  }
0x6f: {  	_ =	shalt  }
0x70: {  	_ =	shalt  }
0x71: {  	_ =	shalt  }
0x72: {  	_ =	shalt  }
0x73: {  	_ =	shalt  }
0x74: {  	_ =	shalt  }
0x75: {  	_ =	shalt  }
0x76: {  	_ =	shalt  }
0x77: {  	_ =	shalt  }
0x78: {  	_ =	shalt  }
0x79: {  	_ =	shalt  }
0x7a: {  	_ =	shalt  }
0x7b: {  	_ =	shalt  }
0x7c: {  	_ =	shalt  }
0x7d: {  	_ =	shalt  }
0x7e: {  	_ =	shalt  }
0x7f: {  	_ =	shalt  }
0x80: {  	_ =	shalt  }
0x81: {  	_ =	shalt  }
0x82: {  	_ =	shalt  }
0x83: {  	_ =	shalt  }
0x84: {  	_ =	shalt  }
0x85: {  	_ =	shalt  }
0x86: {  	_ =	shalt  }
0x87: {  	_ =	shalt  }
.Lfunc_end0:
.L_simem_size_0:
called_computation.1_lowered:
.L_overlay_start_0:
0x88: {  	s2 =	sld [smem:$0x3FD9]  }
0x89: {  	s3 =	sld [smem:$0x3FFE];
	_ =	sdelay $0x1  }
0x8a: {  	s1 =	srdreg.scid  }
0x8b: {  	s0 =	sand.u32 $0x1, s1  }
0x8c: {  	s16 =	sshll.u32 s0, $0xA;
	s2 =	sadd.s32 s3, s2  }
0x8d: {  	s2 =	sadd.s32 s2, s16  }
0x8e: {  	[smem:$0x3FBD] =	sst s2  }
0x8f: {  	_ = 	snop  }
0x90: {  	(tm) =	ssettm $0x1  }
0x91: {  	s17 =	sld [smem:$0x3FFB];
	_ =	sdelay $0x3  }
0x92: {  	_ =	strace s17  }
0x93: {  	s2 =	sld [smem:$0x3FFC];
	_ =	sdelay $0x3  }
0x94: {  	_ =	strace s2  }
0x95: {  	s2 =	sld [smem:$0x3FFD];
	_ =	sdelay $0x3  }
0x96: {  	_ =	strace s2  }
0x97: {  	_ =	strace $0x8FFFFFFF  }
0x98: {  	s18 =	sld [smem:$0x3FDB];
	_ =	sdelay $0x1  }
0x99: {  	s19 =	simm.s32 $_scs_section_size  }
0x9a: {  	s4 =	simm.s32 $_size__tile_overlayer_lowered;
	s5 =	simm.s32 $_tile_overlayer_lowered  }
0x9b: {  	s22 =	simm.s32 $0x1BFF;
	s21 =	sshll.u32 s5, $0x1;
	s2 =	sadd.s32 s19, s18  }
0x9c: {  	s6 =	simm.s32 $0x0;
	s20 =	sshll.u32 s4, $0x1;
	s4 =	sadd.s32 s21, s2  }
0x9d: {  	[timem:s6], [sflag:s22] =	dma.local [hbm:s4], s20  }
0x9e: {  	_ =	swait.ge [sflag:s22], s20  }
0x9f: {  	s3 =	ssub.s32 $0x0, s20;
	[sflag:s22] =	ssyncset.done $0x0  }
0xa0: {  	[sflag:s22] =	ssyncadd.s32 s3;
	_ =	sdelay $0x1  }
0xa1: {  	s23 =	simm.s32 $0x1B8B  }
0xa2: {  	_ =	swait.ge [sflag:s23], $0x1  }
0xa3: {  	[sflag:s23] =	ssyncset.done $0x0  }
0xa4: {  	s25 =	simm.s32 $0x1B8E;
	s24 =	sld [smem:$0x3FFE];
	[sflag:s23] =	ssyncadd.s32 $0xFFFFFFFF  }
0xa5: {  	s26 =	simm.s32 $execute0_lowered;
	[smem:$0x3FD2] =	sst s25  }
0xa6: {  	s4 =	sshll.u32 s26, $0x1;
	_ =	strace $0x80000049;
	[dreg:$0x1] =	wrdreg $0xFFFFFFFF  }
0xa7: {  	s28 =	simm.s32 $_size_execute0_lowered;
	s2 =	sadd.s32 s2, s4;
	[dreg:$0x0] =	wrdreg $0x0  }
0xa8: {  	s4 =	sshll.u32 s28, $0x1;
	[dreg:$0x2] =	wrdreg s2  }
0xa9: {  	[dreg:$0x3] =	wrdreg s4  }
0xaa: {  	[dreg:$0x4] =	wrdreg $0xC0  }
0xab: {  	_ =	task [dreg:s6], $0x5FFFF  }
0xac: {  	[dreg:$0x1] =	wrdreg $0xFFFFFFFF  }
0xad: {  	[dreg:$0x0] =	wrdreg $0x60  }
0xae: {  	[dreg:$0x2] =	wrdreg s24  }
0xaf: {  	[dreg:$0x3] =	wrdreg $0x41000  }
0xb0: {  	[dreg:$0x4] =	wrdreg $0x9  }
0xb1: {  	_ =	task.clear_ibuf [dreg:s6], $0x5FFFF;
	_ =	strace $0x90000049  }
0xb2: {  	s29 =	simm.s32 $0x9;
	_ =	strace $0x8000004B  }
0xb3: {  	_ =	swait.ge [sflag:s29], $0x1  }
0xb4: {  	[sflag:s29] =	ssyncadd.s32 $0xFFFFFFFF  }
0xb5: {  	_ =	strace $0x9000004B  }
0xb6: {  	_ =	sfence  }
0xb7: {  	s30 =	sld [smem:$0x0];
	_ =	sdelay $0x2  }
0xb8: {  	s31 =	sshll.u32 s1, $0xD;
	s1 =	sshrl.u32 s1, $0x2  }
0xb9: {  	s3 =	sand.u32 $0x4000, s31;
	s1 =	sadd.s32 s1, s30  }
0xba: {  	s0 =	sor.u32 s3, s0;
	s1 =	sshll.u32 s1, $0x11  }
0xbb: {  	s0 =	sor.u32 s1, s0  }
0xbc: {  	s0 =	sadd.s32 $0x8F2B, s0  }
0xbd: {  	[sflag:s0] =	ssyncadd.remote.s32 $0x1  }
0xbe: {  	_ =	sfence.sel $0xFFFF  }
0xbf: {  	[dreg:$0x0] =	wrdreg $0xFFFFFFFF;
	(pc) =	sbr.abs _section_cstart, $3  }
0xc0: {  	[dreg:$0x1] =	wrdreg $0xFFFFFFFF  }
0xc1: {  	_ =	task.clear_ibuf [dreg:s6], $0x2FFFF;
	_ =	strace $0x9FFFFFFF  }
0xc2: {  	(tm) =	ssettm $0x7FFFFFFF  }
0xc3: {  	_ =	shalt  }
tec
execute0_lowered:
.L_overlay_start_1:
0x0: {  	(tag) =	ssettag $0x1  }
0x1: {  	s5 =	rddreg [dreg:$0x0]  }
0x2: {  	s2 =	rddreg [dreg:$0x1]  }
0x3: {  	s0 =	rddreg [dreg:$0x2]  }
0x4: {  	s1 =	stileid.u32;
	s3 =	simm.s32 $0x0;
	s4 =	srdreg.scid  }
0x5: {  	s13 =	simm.s32 $0x80;
	s15 =	simm.s32 $0x1;
	s6 =	smul.u32 $0x9E0, s1  }
0x6: {  	s16 =	simm.s32 $0x0;
	[smem:$0x7FF] =	sst s3;
	s7 =	smul.u32 $0x14000, s1  }
0x7: {  	s8 =	sand.u32 $0x1, s4;
	s4 =	sadd.s32 $0x65C00, s5;
	s11 =	smul.u32 $0x50000, s1  }
0x8: {  	s31 =	sshll.u32 s1, $0x6;
	_ =	strace $0x8000004A;
	s9 =	smul.u32 $0x140000, s8  }
0x9: {  	s29 =	ssub.s32 $0x2, s8;
	s14 =	smul.u32 $0x2800, s8;
	s10 =	sadd.s32 s6, s5  }
0xa: {  	s28 =	sshrl.u32 s7, $0x3;
	s12 =	sshrl.u32 s29, $0x1;
	s30 =	sshrl.u32 s11, $0x2  }
0xb: {  	s7 =	sadd.s32 s7, s9;
	s6 =	sadd.s32 s28, s5;
	s9 =	ssub.s32 s29, s12  }
0xc: {  	s11 =	sadd.s32 s30, s2;
	s12 =	simm.s32 $0x2;
	v0 =	vmov s14;
	s14 =	simm.s32 $0x100  }
0xd: {  	s7 =	sshrl.u32 s7, $0x3;
	s8 =	smax.u32 s9, $0x1;
	s9 =	sadd.s32 $0xBE00, s10  }
0xe: {  	s10 =	sadd.s32 $0x2000, s10;
	s11 =	sshrl.u32 s11, $0x3;
	s7 =	sadd.s32 s7, s5  }
0xf: {  	s5 =	sadd.s32 $0x3DC00, s6;
	s6 =	sor.u32 $0x1C02, s31;
	s7 =	sadd.s32 $0x106400, s7  }
.LBB2_1:
0x10: {  	[spmem:s11], [sflag:s6] =	dma.local [hbm:s5], $0x2800  }
0x11: {  	_ =	swait.ge [sflag:s12], $0x2800  }
0x12: {  	[sflag:s12] =	ssyncset.done $0x0  }
0x13: {  	[sflag:s12] =	ssyncadd.s32 $0xFFFFD800  }
0x14: {  	s17 =	sadd.s32 $0x0, s9;
	[bflag:$0x0] =	sbarrier.arrive $0xFFFF  }
0x15: {  	[tilespmem:s3], [sflag:$0x2] =	stream.linear.gather [hbm4b:s17+s3], $0x80, $0x38;
	[tilespmem:$0x18100] =	vst v63  }
0x16: {  	_ =	swait.ge [sflag:s12], $0x80  }
0x17: {  	[sflag:s12] =	ssyncset.done $0x0  }
0x18: {  	s31 =	sadd.s32 $0x0, s10;
	[sflag:s12] =	ssyncadd.s32 $0xFFFFFF80  }
0x19: {  	[tilespmem:s13], [sflag:$0x2] =	stream.linear.gather [hbm4b:s31+s3], $0x80, $0x38;
	[tilespmem:$0x18100] =	vst v63  }
0x1a: {  	_ =	swait.ge [sflag:s12], $0x80  }
0x1b: {  	[sflag:s12] =	ssyncset.done $0x0  }
0x1c: {  	[sflag:s12] =	ssyncadd.s32 $0xFFFFFF80  }
0x1d: {  	v1 =	vld [tilespmem:$0x70]  }
0x1e: {  	v2 =	vld [tilespmem:$0x30]  }
0x1f: {  	v3 =	vld [tilespmem:$0x50]  }
0x20: {  	v5 =	vld [tilespmem:$0x20]  }
0x21: {  	v4 =	vld [tilespmem:$0x60]  }
0x22: {  	v6 =	vld [tilespmem:$0x10];
	v1 =	vadd.s32 v0, v1  }
0x23: {  	v7 =	vld [tilespmem:$0x40];
	v2 =	vadd.s32 v0, v2;
	[tilespmem:$0x70] =	vst v1  }
0x24: {  	v1 =	vld [tilespmem:$0x0];
	[tilespmem:$0x30] =	vst v2;
	v2 =	vadd.s32 v0, v3  }
0x25: {  	v3 =	vadd.s32 v0, v5;
	[tilespmem:$0x50] =	vst v2  }
0x26: {  	v2 =	vadd.s32 v0, v4;
	[tilespmem:$0x20] =	vst v3  }
0x27: {  	[tilespmem:$0x60] =	vst v2;
	v2 =	vadd.s32 v0, v6  }
0x28: {  	[tilespmem:$0x10] =	vst v2;
	v2 =	vadd.s32 v0, v7  }
0x29: {  	[tilespmem:$0x40] =	vst v2;
	v1 =	vadd.s32 v0, v1  }
0x2a: {  	s17 =	simm.s32 $0x10;
	[tilespmem:$0x0] =	vst v1  }
.LBB2_2:
0x2b: {  	[tilespmem:s14], [sflag:$0x1] =	stream.indirect.gather [hbm4b:s4+s13], $0x80, s3, s13, $0xb8;
	[tilespmem:$0x18100] =	vst v63  }
0x2c: {  	s18 =	smov.u32 s17  }
0x2d: {  	p0 =	sne.s32 s17, $0x9D0;
	s17 =	sadd.s32 $0x10, s17;
	_ =	swait.ge [sflag:s15], $0x4000  }
0x2e: {  	[sflag:s15] =	ssyncset.done $0x0  }
0x2f: {  	[sflag:s15] =	ssyncadd.s32 $0xFFFFC000  }
0x30: {  	[spmem:s2] =	stream.indirect.scatter.add.f32 [tilespmem:s14], [sflag:$0x2], $0x80, s13, s13, $0xb8;
	[tilespmem:$0x18100] =	vst v63  }
0x31: {  	_ =	swait.ge [sflag:s12], $0x4000  }
0x32: {  	[sflag:s12] =	ssyncset.done $0x0  }
0x33: {  	s19 =	sadd.s32 s18, s9;
	[sflag:s12] =	ssyncadd.s32 $0xFFFFC000  }
0x34: {  	[tilespmem:s3], [sflag:$0x2] =	stream.linear.gather [hbm4b:s19+s3], $0x80, $0x38;
	[tilespmem:$0x18100] =	vst v63  }
0x35: {  	_ =	swait.ge [sflag:s12], $0x80  }
0x36: {  	[sflag:s12] =	ssyncset.done $0x0  }
0x37: {  	s18 =	sadd.s32 s18, s10;
	[sflag:s12] =	ssyncadd.s32 $0xFFFFFF80  }
0x38: {  	[tilespmem:s13], [sflag:$0x2] =	stream.linear.gather [hbm4b:s18+s3], $0x80, $0x38;
	[tilespmem:$0x18100] =	vst v63  }
0x39: {  	_ =	swait.ge [sflag:s12], $0x80  }
0x3a: {  	[sflag:s12] =	ssyncset.done $0x0  }
0x3b: {  	[sflag:s12] =	ssyncadd.s32 $0xFFFFFF80  }
0x3c: {  	v1 =	vld [tilespmem:$0x70]  }
0x3d: {  	v2 =	vld [tilespmem:$0x30]  }
0x3e: {  	v3 =	vld [tilespmem:$0x50]  }
0x3f: {  	v4 =	vld [tilespmem:$0x60]  }
0x40: {  	v5 =	vld [tilespmem:$0x20]  }
0x41: {  	v6 =	vld [tilespmem:$0x10];
	v1 =	vadd.s32 v0, v1  }
0x42: {  	v2 =	vadd.s32 v0, v2;
	v7 =	vld [tilespmem:$0x40];
	[tilespmem:$0x70] =	vst v1  }
0x43: {  	v1 =	vld [tilespmem:$0x0];
	[tilespmem:$0x30] =	vst v2;
	v2 =	vadd.s32 v0, v3  }
0x44: {  	[tilespmem:$0x50] =	vst v2;
	v2 =	vadd.s32 v0, v4  }
.Ltmp0:
0x45: {  	v3 =	vadd.s32 v0, v5;
	[tilespmem:$0x60] =	vst v2;
	(pc) =	sbr.rel @p0 .LBB2_2-.Ltmp0, $4  }
0x46: {  	v2 =	vadd.s32 v0, v6;
	[tilespmem:$0x20] =	vst v3  }
0x47: {  	[tilespmem:$0x10] =	vst v2;
	v2 =	vadd.s32 v0, v7  }
0x48: {  	v1 =	vadd.s32 v0, v1;
	[tilespmem:$0x40] =	vst v2  }
0x49: {  	[tilespmem:$0x0] =	vst v1  }
0x4a: {  	[tilespmem:s14], [sflag:$0x1] =	stream.indirect.gather [hbm4b:s4+s13], $0x80, s3, s13, $0xb8;
	[tilespmem:$0x18100] =	vst v63  }
0x4b: {  	_ =	swait.ge [sflag:s15], $0x4000  }
0x4c: {  	[sflag:s15] =	ssyncset.done $0x0  }
0x4d: {  	[sflag:s15] =	ssyncadd.s32 $0xFFFFC000  }
0x4e: {  	[spmem:s2] =	stream.indirect.scatter.add.f32 [tilespmem:s14], [sflag:$0x2], $0x80, s13, s13, $0xb8;
	[tilespmem:$0x18100] =	vst v63  }
0x4f: {  	_ =	swait.ge [sflag:s12], $0x4000  }
0x50: {  	s16 =	sadd.s32 $0x1, s16;
	[sflag:s12] =	ssyncset.done $0x0  }
0x51: {  	p0 =	sne.s32 s16, s8;
	[sflag:s12] =	ssyncadd.s32 $0xFFFFC000  }
.Ltmp1:
0x52: {  	[bflag:$0x0] =	sbarrier.arrive $0xFFFF;
	(pc) =	sbr.rel @p0 .LBB2_1-.Ltmp1, $4  }
0x53: {  	[hbm:s7], [sflag:s6] =	dma.local [spmem:s11], $0x2800  }
0x54: {  	_ =	swait.ge [sflag:s12], $0x2800  }
0x55: {  	[sflag:s12] =	ssyncset.done $0x0  }
0x56: {  	[sflag:s12] =	ssyncadd.s32 $0xFFFFD800  }
0x57: {  	_ =	sfence.sel $0x180000  }
0x58: {  	[bflag:$0x0] =	sbarrier.arrive $0xFFFF  }
0x59: {  	p0 =	sne.s32 s1, $0x0;
	_ =	strace $0x9000004A  }
0x5a: {  	s0 =	sadd.s32 @!p0 $0x100000, s0;
	[bflag:$0x2] =	sbarrier.arrive $0xFFFF  }
0x5b: {  	[sflag:s0] =	ssyncadd.tile.s32 @!p0 $0x1;
	_ =	shalt  }
.Lfunc_end2:
_tile_overlayer_lowered:
.L_overlay_start_2:
0x5c: {  	(tag) =	ssettag $0x2  }
0x5d: {  	s0 =	rddreg [dreg:$0x0];
	s2 =	stileid.u32  }
0x5e: {  	s1 =	rddreg [dreg:$0x1];
	p0 =	sne.s32 s2, $0x0  }
0x5f: {  	s3 =	rddreg [dreg:$0x2];
	[bflag:$0x3] =	sbarrier.arrive $0xFFFF;
	s2 =	simm.s32 @!p0 $0x1C02  }
0x60: {  	[timem:s3], [sflag:s2] =	dma.local @!p0 [hbm:s0], s1  }
0x61: {  	s0 =	simm.s32 @!p0 $0x2  }
0x62: {  	_ =	swait.ge @!p0 [sflag:s0], s1  }
0x63: {  	s1 =	ssub.s32 @!p0 $0x0, s1;
	[sflag:s0] =	ssyncset.done @!p0 $0x0  }
0x64: {  	[sflag:s0] =	ssyncadd.s32 @!p0 s1  }
0x65: {  	[bflag:$0x3] =	sbarrier.arrive $0xFFFF  }
0x66: {  	_ =	shalt  }

</sc_bundles>
